<compile_context>
chip_gen: v7x
topology: tpu7x:2x2x1
jax: 0.10.2.dev20260603
libtpu: 0.0.44.dev20260713+nightly
codegen_flags: <defaults>
</compile_context>

<pallas_src>
import dataclasses
import functools

import jax
import jax.numpy as jnp
from jax import lax
from jax.experimental import pallas as pl
from jax.experimental.pallas import tpu as pltpu
from jax.experimental.pallas import tpu_sc as plsc

N_ROWS = 16384
N_COLS = 512
OUT_COLS = 256
LANES = 16
GROUPS = OUT_COLS // LANES

R = 64
ROWS_PER_ITER = 2


def _sc_body(in_vmem, out_vmem):
    even = lax.iota(jnp.int32, LANES) * 2
    cols = [even + g * (2 * LANES) for g in range(GROUPS)]

    @pl.loop(0, R, step=ROWS_PER_ITER)
    def _(r0):
        vals = []
        for u in range(ROWS_PER_ITER):
            row = jnp.full((LANES,), r0 + u, jnp.int32)
            vals.append(
                [plsc.load_gather(in_vmem, [row, cols[g]]) for g in range(GROUPS)]
            )
        for u in range(ROWS_PER_ITER):
            for g in range(GROUPS):
                out_vmem[r0 + u, pl.ds(g * LANES, LANES)] = vals[u][g]


def _compiler_params():
    cp = pltpu.CompilerParams()
    if "needs_layout_passes" in pltpu.CompilerParams.__dataclass_fields__:
        cp = dataclasses.replace(cp, needs_layout_passes=False)
    return cp


@jax.jit
def kernel(inputs):
    mesh = plsc.VectorSubcoreMesh(core_axis_name="c", subcore_axis_name="s")

    @functools.partial(
        pl.kernel,
        out_type=jax.ShapeDtypeStruct((N_ROWS, OUT_COLS), jnp.float32),
        mesh=mesh,
        compiler_params=_compiler_params(),
    )
    def sc_kernel(in_hbm, out_hbm):
        pltpu.emit_pipeline(
            _sc_body,
            grid=(N_ROWS // R,),
            in_specs=[pl.BlockSpec((R, N_COLS), lambda i: (i, 0))],
            out_specs=[pl.BlockSpec((R, OUT_COLS), lambda i: (i, 0))],
            core_axis_name=("c", "s"),
            dimension_semantics=(pltpu.PARALLEL,),
        )(in_hbm, out_hbm)

    return sc_kernel(inputs)

# --- scband reference (transcript-rebuilt; emitter-appended) ---
"""Pipeline reference for scband-column-selector-3504693313543 (READ-ONLY COPY).

The authoritative reference and input builder live on the scoring server;
editing this copy changes nothing except your own understanding.
"""

import jax, jax.numpy as jnp
import numpy as np

INDICES = jnp.arange(0, 512, 2, dtype=jnp.int32)  # matches init_kwargs indices=[0,2,...,510]


def setup_inputs(seed: int = 0) -> dict:
    key = jax.random.key(seed)
    inputs = jax.random.normal(key, (16384, 512), dtype=jnp.float32)
    return {"inputs": inputs}


def reference(inputs):
    # ColumnSelector.call: tf.gather(inputs, self.indices, axis=1)
    return jnp.take(inputs, INDICES, axis=1)

if __name__ == "__main__":
    import jax
    _d = setup_inputs()
    print(jax.jit(kernel)(*tuple(_d.values())))

</pallas_src>

<mosaic_0001>
#map = affine_map<(d0, d1) -> (0, 0)>
module attributes {stable_mosaic.version = 14 : i64} {
  func.func @sc_kernel(%arg0: i32, %arg1: i32, %arg2: memref<16384x512xf32, #tpu.memory_space<hbm>>, %arg3: memref<16384x256xf32, #tpu.memory_space<hbm>>) attributes {dimension_semantics = [#tpu.dimension_semantics<core_parallel>, #tpu.dimension_semantics<subcore_parallel>], iteration_bounds = array<i64: 2, 16>, scalar_prefetch = 0 : i64, scratch_operands = 0 : i64, tpu.core_type = #tpu.core_type<sc_vector_subcore>, window_params = [{transform_indices = #map}, {transform_indices = #map}]} {
    %mul3A = arith.constant 1 : i32
    %mul3A_0 = arith.muli %arg1, %mul3A : i32
    %add3A = arith.constant 0 : i32
    %add3A_1 = arith.addi %add3A, %mul3A_0 : i32
    %mul3A_2 = arith.constant 16 : i32
    %mul3A_3 = arith.muli %arg0, %mul3A_2 : i32
    %add3A_4 = arith.addi %add3A_1, %mul3A_3 : i32
    %mul3A_5 = arith.constant 8 : i32
    %mul3A_6 = arith.muli %add3A_4, %mul3A_5 : i32
    "tpu.region"() ({
      %run_scoped3A = memref.alloca() : memref<2x64x512xf32, #tpu.memory_space<vmem>>
      %run_scoped3A_7 = tpu.sem_alloc : memref<2x!tpu.dma_semaphore, #tpu.memory_space<semaphore_mem>>
      %run_scoped3A_8 = memref.alloca() : memref<2x64x256xf32, #tpu.memory_space<vmem>>
      %run_scoped3A_9 = tpu.sem_alloc : memref<2x!tpu.dma_semaphore, #tpu.memory_space<semaphore_mem>>
      %add3A_10 = arith.constant 0 : i32
      %add3A_11 = arith.addi %add3A_10, %mul3A_6 : i32
      %select_n3A = arith.constant true
      %select_n3A_12 = arith.constant 0 : i32
      %select_n3A_13 = arith.constant -1 : i32
      %select_n3A_14 = arith.select %select_n3A, %select_n3A_13, %select_n3A_12 : i32
      %eq3A = arith.constant -1 : i32
      %eq3A_15 = arith.cmpi eq, %select_n3A_14, %eq3A : i32
      %select_n3A_16 = arith.constant 7 : i32
      %select_n3A_17 = arith.select %eq3A_15, %select_n3A_16, %select_n3A_14 : i32
      %add3A_18 = arith.addi %select_n3A_17, %mul3A_6 : i32
      %select_n3A_19 = arith.constant true
      %select_n3A_20 = arith.constant 0 : i32
      %select_n3A_21 = arith.constant 1 : i32
      %select_n3A_22 = arith.select %select_n3A_19, %select_n3A_21, %select_n3A_20 : i32
      %eq3A_23 = arith.constant 8 : i32
      %eq3A_24 = arith.cmpi eq, %select_n3A_22, %eq3A_23 : i32
      %select_n3A_25 = arith.constant 0 : i32
      %select_n3A_26 = arith.select %eq3A_24, %select_n3A_25, %select_n3A_22 : i32
      %add3A_27 = arith.addi %select_n3A_26, %mul3A_6 : i32
      %add3A_28 = arith.constant 1 : i32
      %add3A_29 = arith.addi %select_n3A_26, %add3A_28 : i32
      %select_n3A_30 = arith.constant true
      %select_n3A_31 = arith.select %select_n3A_30, %add3A_29, %select_n3A_26 : i32
      %eq3A_32 = arith.constant 8 : i32
      %eq3A_33 = arith.cmpi eq, %select_n3A_31, %eq3A_32 : i32
      %select_n3A_34 = arith.constant 0 : i32
      %select_n3A_35 = arith.select %eq3A_33, %select_n3A_34, %select_n3A_31 : i32
      %add3A_36 = arith.addi %select_n3A_35, %mul3A_6 : i32
      "tpu.trace_start"() <{level = 10 : i32, message = "ep_initialize_0"}> : () -> ()
      %rem3A = arith.constant 0 : i32
      %rem3A_37 = arith.constant 2 : i32
      %rem3A_38 = arith.remui %rem3A, %rem3A_37 : i32
      %mul3A_39 = arith.constant 64 : i32
      %mul3A_40 = arith.muli %mul3A_39, %add3A_11 : i32
      %dma_start3A = arith.constant 0 : i32
      %dma_start3A_41 = arith.constant 0 : i32
      %dma_start3A_42 = tpu.memref_slice %run_scoped3A[%rem3A_38, %dma_start3A, %dma_start3A_41] : memref<2x64x512xf32, #tpu.memory_space<vmem>> -> memref<1x64x512xf32, #tpu.memory_space<vmem>>
      %dma_start3A_43 = tpu.memref_squeeze %dma_start3A_42 : memref<1x64x512xf32, #tpu.memory_space<vmem>> -> memref<64x512xf32, #tpu.memory_space<vmem>>
      %dma_start3A_44 = arith.constant 0 : i32
      %dma_start3A_45 = tpu.memref_slice %arg2[%mul3A_40, %dma_start3A_44] : memref<16384x512xf32, #tpu.memory_space<hbm>> -> memref<64x512xf32, #tpu.memory_space<hbm>>
      %dma_start3A_46 = tpu.memref_slice %run_scoped3A_7[%rem3A_38] : memref<2x!tpu.dma_semaphore, #tpu.memory_space<semaphore_mem>> -> memref<1x!tpu.dma_semaphore, #tpu.memory_space<semaphore_mem>>
      %dma_start3A_47 = tpu.memref_squeeze %dma_start3A_46 : memref<1x!tpu.dma_semaphore, #tpu.memory_space<semaphore_mem>> -> memref<!tpu.dma_semaphore, #tpu.memory_space<semaphore_mem>>
      %dma_start3A_48 = arith.constant 0 : i32
      %dma_start3A_49 = arith.constant 0 : i32
      %dma_start3A_50 = tpu.memref_slice %run_scoped3A[%rem3A_38, %dma_start3A_48, %dma_start3A_49] : memref<2x64x512xf32, #tpu.memory_space<vmem>> -> memref<1x64x512xf32, #tpu.memory_space<vmem>>
      %dma_start3A_51 = tpu.memref_squeeze %dma_start3A_50 : memref<1x64x512xf32, #tpu.memory_space<vmem>> -> memref<64x512xf32, #tpu.memory_space<vmem>>
      %dma_start3A_52 = arith.constant 0 : i32
      %dma_start3A_53 = tpu.memref_slice %arg2[%mul3A_40, %dma_start3A_52] : memref<16384x512xf32, #tpu.memory_space<hbm>> -> memref<64x512xf32, #tpu.memory_space<hbm>>
      tpu.enqueue_dma source(%dma_start3A_53 : memref<64x512xf32, #tpu.memory_space<hbm>>) target(%dma_start3A_51 : memref<64x512xf32, #tpu.memory_space<vmem>>) target_semaphore(%dma_start3A_47 : memref<!tpu.dma_semaphore, #tpu.memory_space<semaphore_mem>>)
      %add3A_54 = arith.constant 0 : i32
      %add3A_55 = arith.constant 1 : i32
      %add3A_56 = arith.addi %add3A_54, %add3A_55 : i32
      %select_n3A_57 = arith.constant true
      %select_n3A_58 = arith.constant 0 : i32
      %select_n3A_59 = arith.select %select_n3A_57, %add3A_56, %select_n3A_58 : i32
      "tpu.trace_stop"() : () -> ()
      %scan3A = arith.constant 0 : i32
      %scan3A_60 = arith.constant 0 : i32
      %scan3A_61 = arith.constant 0 : i32
      %scan3A_62 = arith.constant 0 : i32
      %scan3A_63 = arith.constant 0 : i32
      %scan3A_64 = arith.constant 8 : i32
      %scan3A_65 = arith.addi %scan3A_63, %scan3A_64 : i32
      %scan3A_66 = arith.constant 1 : i32
      %scan3A_67:5 = scf.for %scan3A_121 = %scan3A_63 to %scan3A_65 step %scan3A_66 iter_args(%scan3A_122 = %select_n3A_59, %scan3A_123 = %scan3A, %scan3A_124 = %scan3A_60, %scan3A_125 = %scan3A_61, %scan3A_126 = %scan3A_62) -> (i32, i32, i32, i32, i32)  : i32 {
        %eq3A_127 = arith.constant 0 : i32
        %eq3A_128 = arith.cmpi eq, %scan3A_121, %eq3A_127 : i32
        %eq3A_129 = arith.constant 7 : i32
        %eq3A_130 = arith.cmpi eq, %scan3A_121, %eq3A_129 : i32
        %add3A_131 = arith.addi %scan3A_126, %mul3A_6 : i32
        %sub3A_132 = arith.constant 1 : i32
        %sub3A_133 = arith.subi %scan3A_126, %sub3A_132 : i32
        %select_n3A_134 = arith.constant true
        %select_n3A_135 = arith.select %select_n3A_134, %sub3A_133, %scan3A_126 : i32
        %eq3A_136 = arith.constant -1 : i32
        %eq3A_137 = arith.cmpi eq, %select_n3A_135, %eq3A_136 : i32
        %select_n3A_138 = arith.constant 7 : i32
        %select_n3A_139 = arith.select %eq3A_137, %select_n3A_138, %select_n3A_135 : i32
        %add3A_140 = arith.addi %select_n3A_139, %mul3A_6 : i32
        %add3A_141 = arith.constant 1 : i32
        %add3A_142 = arith.addi %scan3A_126, %add3A_141 : i32
        %select_n3A_143 = arith.constant true
        %select_n3A_144 = arith.select %select_n3A_143, %add3A_142, %scan3A_126 : i32
        %eq3A_145 = arith.constant 8 : i32
        %eq3A_146 = arith.cmpi eq, %select_n3A_144, %eq3A_145 : i32
        %select_n3A_147 = arith.constant 0 : i32
        %select_n3A_148 = arith.select %eq3A_146, %select_n3A_147, %select_n3A_144 : i32
        %add3A_149 = arith.addi %select_n3A_148, %mul3A_6 : i32
        %add3A_150 = arith.constant 1 : i32
        %add3A_151 = arith.addi %select_n3A_148, %add3A_150 : i32
        %select_n3A_152 = arith.constant true
        %select_n3A_153 = arith.select %select_n3A_152, %add3A_151, %select_n3A_148 : i32
        %eq3A_154 = arith.constant 8 : i32
        %eq3A_155 = arith.cmpi eq, %select_n3A_153, %eq3A_154 : i32
        %select_n3A_156 = arith.constant 0 : i32
        %select_n3A_157 = arith.select %eq3A_155, %select_n3A_156, %select_n3A_153 : i32
        %add3A_158 = arith.addi %select_n3A_157, %mul3A_6 : i32
        %ne3A = arith.cmpi ne, %add3A_131, %add3A_149 : i32
        %or3A = arith.constant false
        %or3A_159 = arith.ori %or3A, %ne3A : i1
        %or3A_160 = arith.constant false
        %or3A_161 = arith.ori %or3A_159, %or3A_160 : i1
        %ge3A = arith.constant 7 : i32
        %ge3A_162 = arith.cmpi sge, %scan3A_121, %ge3A : i32
        %not3A = arith.constant true
        %not3A_163 = arith.xori %ge3A_162, %not3A : i1
        %and3A = arith.andi %or3A_161, %not3A_163 : i1
        %convert_element_type3A = arith.extui %and3A : i1 to i32
        %cond3A = arith.constant 0 : i32
        %cond3A_164 = arith.cmpi ne, %convert_element_type3A, %cond3A : i32
        scf.if %cond3A_164 {
          "tpu.trace_start"() <{level = 10 : i32, message = "ep_copy_in"}> : () -> ()
          %rem3A_329 = arith.constant 2 : i32
          %rem3A_330 = arith.remui %scan3A_122, %rem3A_329 : i32
          %mul3A_331 = arith.constant 64 : i32
          %mul3A_332 = arith.muli %mul3A_331, %add3A_149 : i32
          %dma_start3A_333 = arith.constant 0 : i32
          %dma_start3A_334 = arith.constant 0 : i32
          %dma_start3A_335 = tpu.memref_slice %run_scoped3A[%rem3A_330, %dma_start3A_333, %dma_start3A_334] : memref<2x64x512xf32, #tpu.memory_space<vmem>> -> memref<1x64x512xf32, #tpu.memory_space<vmem>>
          %dma_start3A_336 = tpu.memref_squeeze %dma_start3A_335 : memref<1x64x512xf32, #tpu.memory_space<vmem>> -> memref<64x512xf32, #tpu.memory_space<vmem>>
          %dma_start3A_337 = arith.constant 0 : i32
          %dma_start3A_338 = tpu.memref_slice %arg2[%mul3A_332, %dma_start3A_337] : memref<16384x512xf32, #tpu.memory_space<hbm>> -> memref<64x512xf32, #tpu.memory_space<hbm>>
          %dma_start3A_339 = tpu.memref_slice %run_scoped3A_7[%rem3A_330] : memref<2x!tpu.dma_semaphore, #tpu.memory_space<semaphore_mem>> -> memref<1x!tpu.dma_semaphore, #tpu.memory_space<semaphore_mem>>
          %dma_start3A_340 = tpu.memref_squeeze %dma_start3A_339 : memref<1x!tpu.dma_semaphore, #tpu.memory_space<semaphore_mem>> -> memref<!tpu.dma_semaphore, #tpu.memory_space<semaphore_mem>>
          %dma_start3A_341 = arith.constant 0 : i32
          %dma_start3A_342 = arith.constant 0 : i32
          %dma_start3A_343 = tpu.memref_slice %run_scoped3A[%rem3A_330, %dma_start3A_341, %dma_start3A_342] : memref<2x64x512xf32, #tpu.memory_space<vmem>> -> memref<1x64x512xf32, #tpu.memory_space<vmem>>
          %dma_start3A_344 = tpu.memref_squeeze %dma_start3A_343 : memref<1x64x512xf32, #tpu.memory_space<vmem>> -> memref<64x512xf32, #tpu.memory_space<vmem>>
          %dma_start3A_345 = arith.constant 0 : i32
          %dma_start3A_346 = tpu.memref_slice %arg2[%mul3A_332, %dma_start3A_345] : memref<16384x512xf32, #tpu.memory_space<hbm>> -> memref<64x512xf32, #tpu.memory_space<hbm>>
          tpu.enqueue_dma source(%dma_start3A_346 : memref<64x512xf32, #tpu.memory_space<hbm>>) target(%dma_start3A_344 : memref<64x512xf32, #tpu.memory_space<vmem>>) target_semaphore(%dma_start3A_340 : memref<!tpu.dma_semaphore, #tpu.memory_space<semaphore_mem>>)
          "tpu.trace_stop"() : () -> ()
        } else {
        }
        %and3A_165 = arith.constant true
        %and3A_166 = arith.andi %and3A, %and3A_165 : i1
        %add3A_167 = arith.constant 1 : i32
        %add3A_168 = arith.addi %scan3A_122, %add3A_167 : i32
        %select_n3A_169 = arith.select %and3A_166, %add3A_168, %scan3A_122 : i32
        %ne3A_170 = arith.cmpi ne, %add3A_131, %add3A_149 : i32
        %or3A_171 = arith.constant false
        %or3A_172 = arith.ori %or3A_171, %ne3A_170 : i1
        %or3A_173 = arith.constant false
        %or3A_174 = arith.ori %or3A_172, %or3A_173 : i1
        %ge3A_175 = arith.constant 7 : i32
        %ge3A_176 = arith.cmpi sge, %scan3A_121, %ge3A_175 : i32
        %not3A_177 = arith.constant true
        %not3A_178 = arith.xori %ge3A_176, %not3A_177 : i1
        %and3A_179 = arith.andi %or3A_174, %not3A_178 : i1
        %ne3A_180 = arith.cmpi ne, %add3A_131, %add3A_140 : i32
        %or3A_181 = arith.constant false
        %or3A_182 = arith.ori %or3A_181, %ne3A_180 : i1
        %or3A_183 = arith.constant false
        %or3A_184 = arith.ori %or3A_182, %or3A_183 : i1
        %or3A_185 = arith.ori %or3A_184, %eq3A_128 : i1
        %convert_element_type3A_186 = arith.extui %or3A_185 : i1 to i32
        %cond3A_187 = arith.constant 0 : i32
        %cond3A_188 = arith.cmpi ne, %convert_element_type3A_186, %cond3A_187 : i32
        scf.if %cond3A_188 {
          "tpu.trace_start"() <{level = 10 : i32, message = "ep_wait_in"}> : () -> ()
          %mul3A_329 = arith.constant 64 : i32
          %mul3A_330 = arith.muli %mul3A_329, %add3A_131 : i32
          %rem3A_331 = arith.constant 2 : i32
          %rem3A_332 = arith.remui %scan3A_123, %rem3A_331 : i32
          %dma_wait3A_333 = arith.constant 0 : i32
          %dma_wait3A_334 = arith.constant 0 : i32
          %dma_wait3A_335 = tpu.memref_slice %run_scoped3A[%rem3A_332, %dma_wait3A_333, %dma_wait3A_334] : memref<2x64x512xf32, #tpu.memory_space<vmem>> -> memref<1x64x512xf32, #tpu.memory_space<vmem>>
          %dma_wait3A_336 = tpu.memref_squeeze %dma_wait3A_335 : memref<1x64x512xf32, #tpu.memory_space<vmem>> -> memref<64x512xf32, #tpu.memory_space<vmem>>
          %dma_wait3A_337 = arith.constant 0 : i32
          %dma_wait3A_338 = tpu.memref_slice %arg2[%mul3A_330, %dma_wait3A_337] : memref<16384x512xf32, #tpu.memory_space<hbm>> -> memref<64x512xf32, #tpu.memory_space<hbm>>
          %dma_wait3A_339 = tpu.memref_slice %run_scoped3A_7[%rem3A_332] : memref<2x!tpu.dma_semaphore, #tpu.memory_space<semaphore_mem>> -> memref<1x!tpu.dma_semaphore, #tpu.memory_space<semaphore_mem>>
          %dma_wait3A_340 = tpu.memref_squeeze %dma_wait3A_339 : memref<1x!tpu.dma_semaphore, #tpu.memory_space<semaphore_mem>> -> memref<!tpu.dma_semaphore, #tpu.memory_space<semaphore_mem>>
          %dma_wait3A_341 = arith.constant 0 : i32
          %dma_wait3A_342 = arith.constant 0 : i32
          %dma_wait3A_343 = tpu.memref_slice %run_scoped3A[%rem3A_332, %dma_wait3A_341, %dma_wait3A_342] : memref<2x64x512xf32, #tpu.memory_space<vmem>> -> memref<1x64x512xf32, #tpu.memory_space<vmem>>
          %dma_wait3A_344 = tpu.memref_squeeze %dma_wait3A_343 : memref<1x64x512xf32, #tpu.memory_space<vmem>> -> memref<64x512xf32, #tpu.memory_space<vmem>>
          %dma_wait3A_345 = arith.constant 0 : i32
          %dma_wait3A_346 = tpu.memref_slice %arg2[%mul3A_330, %dma_wait3A_345] : memref<16384x512xf32, #tpu.memory_space<hbm>> -> memref<64x512xf32, #tpu.memory_space<hbm>>
          tpu.wait_dma2 semaphore(%dma_wait3A_340 : memref<!tpu.dma_semaphore, #tpu.memory_space<semaphore_mem>>) src(%dma_wait3A_346 : memref<64x512xf32, #tpu.memory_space<hbm>>) dst(%dma_wait3A_344 : memref<64x512xf32, #tpu.memory_space<vmem>>)
          "tpu.trace_stop"() : () -> ()
        } else {
        }
        %ne3A_189 = arith.cmpi ne, %add3A_131, %add3A_140 : i32
        %or3A_190 = arith.constant false
        %or3A_191 = arith.ori %or3A_190, %ne3A_189 : i1
        %or3A_192 = arith.constant false
        %or3A_193 = arith.ori %or3A_191, %or3A_192 : i1
        %or3A_194 = arith.ori %or3A_193, %eq3A_128 : i1
        %convert_element_type3A_195 = arith.extui %or3A_194 : i1 to i32
        %cond3A_196 = arith.constant 0 : i32
        %cond3A_197 = arith.cmpi ne, %convert_element_type3A_195, %cond3A_196 : i32
        scf.if %cond3A_197 {
        } else {
        }
        %rem3A_198 = arith.constant 2 : i32
        %rem3A_199 = arith.remui %scan3A_123, %rem3A_198 : i32
        %rem3A_200 = arith.constant 2 : i32
        %rem3A_201 = arith.remui %scan3A_124, %rem3A_200 : i32
        "tpu.trace_start"() <{level = 10 : i32, message = "ep_run_kernel"}> : () -> ()
        %iota3A = tpu.iota {dimensions = array<i32: 0>} : vector<16xi32>
        %mul3A_202 = arith.constant 2 : i32
        %mul3A_203 = vector.broadcast %mul3A_202 : i32 to vector<16xi32>
        %mul3A_204 = arith.muli %iota3A, %mul3A_203 : vector<16xi32>
        %add3A_205 = arith.constant 0 : i32
        %add3A_206 = vector.broadcast %add3A_205 : i32 to vector<16xi32>
        %add3A_207 = arith.addi %mul3A_204, %add3A_206 : vector<16xi32>
        %add3A_208 = arith.constant 32 : i32
        %add3A_209 = vector.broadcast %add3A_208 : i32 to vector<16xi32>
        %add3A_210 = arith.addi %mul3A_204, %add3A_209 : vector<16xi32>
        %add3A_211 = arith.constant 64 : i32
        %add3A_212 = vector.broadcast %add3A_211 : i32 to vector<16xi32>
        %add3A_213 = arith.addi %mul3A_204, %add3A_212 : vector<16xi32>
        %add3A_214 = arith.constant 96 : i32
        %add3A_215 = vector.broadcast %add3A_214 : i32 to vector<16xi32>
        %add3A_216 = arith.addi %mul3A_204, %add3A_215 : vector<16xi32>
        %add3A_217 = arith.constant 128 : i32
        %add3A_218 = vector.broadcast %add3A_217 : i32 to vector<16xi32>
        %add3A_219 = arith.addi %mul3A_204, %add3A_218 : vector<16xi32>
        %add3A_220 = arith.constant 160 : i32
        %add3A_221 = vector.broadcast %add3A_220 : i32 to vector<16xi32>
        %add3A_222 = arith.addi %mul3A_204, %add3A_221 : vector<16xi32>
        %add3A_223 = arith.constant 192 : i32
        %add3A_224 = vector.broadcast %add3A_223 : i32 to vector<16xi32>
        %add3A_225 = arith.addi %mul3A_204, %add3A_224 : vector<16xi32>
        %add3A_226 = arith.constant 224 : i32
        %add3A_227 = vector.broadcast %add3A_226 : i32 to vector<16xi32>
        %add3A_228 = arith.addi %mul3A_204, %add3A_227 : vector<16xi32>
        %add3A_229 = arith.constant 256 : i32
        %add3A_230 = vector.broadcast %add3A_229 : i32 to vector<16xi32>
        %add3A_231 = arith.addi %mul3A_204, %add3A_230 : vector<16xi32>
        %add3A_232 = arith.constant 288 : i32
        %add3A_233 = vector.broadcast %add3A_232 : i32 to vector<16xi32>
        %add3A_234 = arith.addi %mul3A_204, %add3A_233 : vector<16xi32>
        %add3A_235 = arith.constant 320 : i32
        %add3A_236 = vector.broadcast %add3A_235 : i32 to vector<16xi32>
        %add3A_237 = arith.addi %mul3A_204, %add3A_236 : vector<16xi32>
        %add3A_238 = arith.constant 352 : i32
        %add3A_239 = vector.broadcast %add3A_238 : i32 to vector<16xi32>
        %add3A_240 = arith.addi %mul3A_204, %add3A_239 : vector<16xi32>
        %add3A_241 = arith.constant 384 : i32
        %add3A_242 = vector.broadcast %add3A_241 : i32 to vector<16xi32>
        %add3A_243 = arith.addi %mul3A_204, %add3A_242 : vector<16xi32>
        %add3A_244 = arith.constant 416 : i32
        %add3A_245 = vector.broadcast %add3A_244 : i32 to vector<16xi32>
        %add3A_246 = arith.addi %mul3A_204, %add3A_245 : vector<16xi32>
        %add3A_247 = arith.constant 448 : i32
        %add3A_248 = vector.broadcast %add3A_247 : i32 to vector<16xi32>
        %add3A_249 = arith.addi %mul3A_204, %add3A_248 : vector<16xi32>
        %add3A_250 = arith.constant 480 : i32
        %add3A_251 = vector.broadcast %add3A_250 : i32 to vector<16xi32>
        %add3A_252 = arith.addi %mul3A_204, %add3A_251 : vector<16xi32>
        %scan3A_253 = arith.constant 0 : i32
        %scan3A_254 = arith.constant 32 : i32
        %scan3A_255 = arith.addi %scan3A_253, %scan3A_254 : i32
        %scan3A_256 = arith.constant 1 : i32
        scf.for %scan3A_329 = %scan3A_253 to %scan3A_255 step %scan3A_256  : i32 {
          %mul3A_330 = arith.constant 2 : i32
          %mul3A_331 = arith.muli %scan3A_329, %mul3A_330 : i32
          %add3A_332 = arith.constant 0 : i32
          %add3A_333 = arith.addi %add3A_332, %mul3A_331 : i32
          %add3A_334 = arith.constant 0 : i32
          %add3A_335 = arith.addi %add3A_333, %add3A_334 : i32
          %broadcast_in_dim3A = vector.broadcast %add3A_335 : i32 to vector<16xi32>
          %gather3A = arith.constant 0 : i32
          %gather3A_336 = arith.constant 0 : i32
          %gather3A_337 = tpu.memref_slice %run_scoped3A[%rem3A_199, %gather3A, %gather3A_336] : memref<2x64x512xf32, #tpu.memory_space<vmem>> -> memref<1x64x512xf32, #tpu.memory_space<vmem>>
          %gather3A_338 = tpu.memref_squeeze %gather3A_337 : memref<1x64x512xf32, #tpu.memory_space<vmem>> -> memref<64x512xf32, #tpu.memory_space<vmem>>
          %gather3A_339 = tpu.vector_load_idx %gather3A_338[%broadcast_in_dim3A, %add3A_207] : memref<64x512xf32, #tpu.memory_space<vmem>>[vector<16xi32>, vector<16xi32>], vector<16xf32>,
          %gather3A_340 = arith.constant 0 : i32
          %gather3A_341 = arith.constant 0 : i32
          %gather3A_342 = tpu.memref_slice %run_scoped3A[%rem3A_199, %gather3A_340, %gather3A_341] : memref<2x64x512xf32, #tpu.memory_space<vmem>> -> memref<1x64x512xf32, #tpu.memory_space<vmem>>
          %gather3A_343 = tpu.memref_squeeze %gather3A_342 : memref<1x64x512xf32, #tpu.memory_space<vmem>> -> memref<64x512xf32, #tpu.memory_space<vmem>>
          %gather3A_344 = tpu.vector_load_idx %gather3A_343[%broadcast_in_dim3A, %add3A_210] : memref<64x512xf32, #tpu.memory_space<vmem>>[vector<16xi32>, vector<16xi32>], vector<16xf32>,
          %gather3A_345 = arith.constant 0 : i32
          %gather3A_346 = arith.constant 0 : i32
          %gather3A_347 = tpu.memref_slice %run_scoped3A[%rem3A_199, %gather3A_345, %gather3A_346] : memref<2x64x512xf32, #tpu.memory_space<vmem>> -> memref<1x64x512xf32, #tpu.memory_space<vmem>>
          %gather3A_348 = tpu.memref_squeeze %gather3A_347 : memref<1x64x512xf32, #tpu.memory_space<vmem>> -> memref<64x512xf32, #tpu.memory_space<vmem>>
          %gather3A_349 = tpu.vector_load_idx %gather3A_348[%broadcast_in_dim3A, %add3A_213] : memref<64x512xf32, #tpu.memory_space<vmem>>[vector<16xi32>, vector<16xi32>], vector<16xf32>,
          %gather3A_350 = arith.constant 0 : i32
          %gather3A_351 = arith.constant 0 : i32
          %gather3A_352 = tpu.memref_slice %run_scoped3A[%rem3A_199, %gather3A_350, %gather3A_351] : memref<2x64x512xf32, #tpu.memory_space<vmem>> -> memref<1x64x512xf32, #tpu.memory_space<vmem>>
          %gather3A_353 = tpu.memref_squeeze %gather3A_352 : memref<1x64x512xf32, #tpu.memory_space<vmem>> -> memref<64x512xf32, #tpu.memory_space<vmem>>
          %gather3A_354 = tpu.vector_load_idx %gather3A_353[%broadcast_in_dim3A, %add3A_216] : memref<64x512xf32, #tpu.memory_space<vmem>>[vector<16xi32>, vector<16xi32>], vector<16xf32>,
          %gather3A_355 = arith.constant 0 : i32
          %gather3A_356 = arith.constant 0 : i32
          %gather3A_357 = tpu.memref_slice %run_scoped3A[%rem3A_199, %gather3A_355, %gather3A_356] : memref<2x64x512xf32, #tpu.memory_space<vmem>> -> memref<1x64x512xf32, #tpu.memory_space<vmem>>
          %gather3A_358 = tpu.memref_squeeze %gather3A_357 : memref<1x64x512xf32, #tpu.memory_space<vmem>> -> memref<64x512xf32, #tpu.memory_space<vmem>>
          %gather3A_359 = tpu.vector_load_idx %gather3A_358[%broadcast_in_dim3A, %add3A_219] : memref<64x512xf32, #tpu.memory_space<vmem>>[vector<16xi32>, vector<16xi32>], vector<16xf32>,
          %gather3A_360 = arith.constant 0 : i32
          %gather3A_361 = arith.constant 0 : i32
          %gather3A_362 = tpu.memref_slice %run_scoped3A[%rem3A_199, %gather3A_360, %gather3A_361] : memref<2x64x512xf32, #tpu.memory_space<vmem>> -> memref<1x64x512xf32, #tpu.memory_space<vmem>>
          %gather3A_363 = tpu.memref_squeeze %gather3A_362 : memref<1x64x512xf32, #tpu.memory_space<vmem>> -> memref<64x512xf32, #tpu.memory_space<vmem>>
          %gather3A_364 = tpu.vector_load_idx %gather3A_363[%broadcast_in_dim3A, %add3A_222] : memref<64x512xf32, #tpu.memory_space<vmem>>[vector<16xi32>, vector<16xi32>], vector<16xf32>,
          %gather3A_365 = arith.constant 0 : i32
          %gather3A_366 = arith.constant 0 : i32
          %gather3A_367 = tpu.memref_slice %run_scoped3A[%rem3A_199, %gather3A_365, %gather3A_366] : memref<2x64x512xf32, #tpu.memory_space<vmem>> -> memref<1x64x512xf32, #tpu.memory_space<vmem>>
          %gather3A_368 = tpu.memref_squeeze %gather3A_367 : memref<1x64x512xf32, #tpu.memory_space<vmem>> -> memref<64x512xf32, #tpu.memory_space<vmem>>
          %gather3A_369 = tpu.vector_load_idx %gather3A_368[%broadcast_in_dim3A, %add3A_225] : memref<64x512xf32, #tpu.memory_space<vmem>>[vector<16xi32>, vector<16xi32>], vector<16xf32>,
          %gather3A_370 = arith.constant 0 : i32
          %gather3A_371 = arith.constant 0 : i32
          %gather3A_372 = tpu.memref_slice %run_scoped3A[%rem3A_199, %gather3A_370, %gather3A_371] : memref<2x64x512xf32, #tpu.memory_space<vmem>> -> memref<1x64x512xf32, #tpu.memory_space<vmem>>
          %gather3A_373 = tpu.memref_squeeze %gather3A_372 : memref<1x64x512xf32, #tpu.memory_space<vmem>> -> memref<64x512xf32, #tpu.memory_space<vmem>>
          %gather3A_374 = tpu.vector_load_idx %gather3A_373[%broadcast_in_dim3A, %add3A_228] : memref<64x512xf32, #tpu.memory_space<vmem>>[vector<16xi32>, vector<16xi32>], vector<16xf32>,
          %gather3A_375 = arith.constant 0 : i32
          %gather3A_376 = arith.constant 0 : i32
          %gather3A_377 = tpu.memref_slice %run_scoped3A[%rem3A_199, %gather3A_375, %gather3A_376] : memref<2x64x512xf32, #tpu.memory_space<vmem>> -> memref<1x64x512xf32, #tpu.memory_space<vmem>>
          %gather3A_378 = tpu.memref_squeeze %gather3A_377 : memref<1x64x512xf32, #tpu.memory_space<vmem>> -> memref<64x512xf32, #tpu.memory_space<vmem>>
          %gather3A_379 = tpu.vector_load_idx %gather3A_378[%broadcast_in_dim3A, %add3A_231] : memref<64x512xf32, #tpu.memory_space<vmem>>[vector<16xi32>, vector<16xi32>], vector<16xf32>,
          %gather3A_380 = arith.constant 0 : i32
          %gather3A_381 = arith.constant 0 : i32
          %gather3A_382 = tpu.memref_slice %run_scoped3A[%rem3A_199, %gather3A_380, %gather3A_381] : memref<2x64x512xf32, #tpu.memory_space<vmem>> -> memref<1x64x512xf32, #tpu.memory_space<vmem>>
          %gather3A_383 = tpu.memref_squeeze %gather3A_382 : memref<1x64x512xf32, #tpu.memory_space<vmem>> -> memref<64x512xf32, #tpu.memory_space<vmem>>
          %gather3A_384 = tpu.vector_load_idx %gather3A_383[%broadcast_in_dim3A, %add3A_234] : memref<64x512xf32, #tpu.memory_space<vmem>>[vector<16xi32>, vector<16xi32>], vector<16xf32>,
          %gather3A_385 = arith.constant 0 : i32
          %gather3A_386 = arith.constant 0 : i32
          %gather3A_387 = tpu.memref_slice %run_scoped3A[%rem3A_199, %gather3A_385, %gather3A_386] : memref<2x64x512xf32, #tpu.memory_space<vmem>> -> memref<1x64x512xf32, #tpu.memory_space<vmem>>
          %gather3A_388 = tpu.memref_squeeze %gather3A_387 : memref<1x64x512xf32, #tpu.memory_space<vmem>> -> memref<64x512xf32, #tpu.memory_space<vmem>>
          %gather3A_389 = tpu.vector_load_idx %gather3A_388[%broadcast_in_dim3A, %add3A_237] : memref<64x512xf32, #tpu.memory_space<vmem>>[vector<16xi32>, vector<16xi32>], vector<16xf32>,
          %gather3A_390 = arith.constant 0 : i32
          %gather3A_391 = arith.constant 0 : i32
          %gather3A_392 = tpu.memref_slice %run_scoped3A[%rem3A_199, %gather3A_390, %gather3A_391] : memref<2x64x512xf32, #tpu.memory_space<vmem>> -> memref<1x64x512xf32, #tpu.memory_space<vmem>>
          %gather3A_393 = tpu.memref_squeeze %gather3A_392 : memref<1x64x512xf32, #tpu.memory_space<vmem>> -> memref<64x512xf32, #tpu.memory_space<vmem>>
          %gather3A_394 = tpu.vector_load_idx %gather3A_393[%broadcast_in_dim3A, %add3A_240] : memref<64x512xf32, #tpu.memory_space<vmem>>[vector<16xi32>, vector<16xi32>], vector<16xf32>,
          %gather3A_395 = arith.constant 0 : i32
          %gather3A_396 = arith.constant 0 : i32
          %gather3A_397 = tpu.memref_slice %run_scoped3A[%rem3A_199, %gather3A_395, %gather3A_396] : memref<2x64x512xf32, #tpu.memory_space<vmem>> -> memref<1x64x512xf32, #tpu.memory_space<vmem>>
          %gather3A_398 = tpu.memref_squeeze %gather3A_397 : memref<1x64x512xf32, #tpu.memory_space<vmem>> -> memref<64x512xf32, #tpu.memory_space<vmem>>
          %gather3A_399 = tpu.vector_load_idx %gather3A_398[%broadcast_in_dim3A, %add3A_243] : memref<64x512xf32, #tpu.memory_space<vmem>>[vector<16xi32>, vector<16xi32>], vector<16xf32>,
          %gather3A_400 = arith.constant 0 : i32
          %gather3A_401 = arith.constant 0 : i32
          %gather3A_402 = tpu.memref_slice %run_scoped3A[%rem3A_199, %gather3A_400, %gather3A_401] : memref<2x64x512xf32, #tpu.memory_space<vmem>> -> memref<1x64x512xf32, #tpu.memory_space<vmem>>
          %gather3A_403 = tpu.memref_squeeze %gather3A_402 : memref<1x64x512xf32, #tpu.memory_space<vmem>> -> memref<64x512xf32, #tpu.memory_space<vmem>>
          %gather3A_404 = tpu.vector_load_idx %gather3A_403[%broadcast_in_dim3A, %add3A_246] : memref<64x512xf32, #tpu.memory_space<vmem>>[vector<16xi32>, vector<16xi32>], vector<16xf32>,
          %gather3A_405 = arith.constant 0 : i32
          %gather3A_406 = arith.constant 0 : i32
          %gather3A_407 = tpu.memref_slice %run_scoped3A[%rem3A_199, %gather3A_405, %gather3A_406] : memref<2x64x512xf32, #tpu.memory_space<vmem>> -> memref<1x64x512xf32, #tpu.memory_space<vmem>>
          %gather3A_408 = tpu.memref_squeeze %gather3A_407 : memref<1x64x512xf32, #tpu.memory_space<vmem>> -> memref<64x512xf32, #tpu.memory_space<vmem>>
          %gather3A_409 = tpu.vector_load_idx %gather3A_408[%broadcast_in_dim3A, %add3A_249] : memref<64x512xf32, #tpu.memory_space<vmem>>[vector<16xi32>, vector<16xi32>], vector<16xf32>,
          %gather3A_410 = arith.constant 0 : i32
          %gather3A_411 = arith.constant 0 : i32
          %gather3A_412 = tpu.memref_slice %run_scoped3A[%rem3A_199, %gather3A_410, %gather3A_411] : memref<2x64x512xf32, #tpu.memory_space<vmem>> -> memref<1x64x512xf32, #tpu.memory_space<vmem>>
          %gather3A_413 = tpu.memref_squeeze %gather3A_412 : memref<1x64x512xf32, #tpu.memory_space<vmem>> -> memref<64x512xf32, #tpu.memory_space<vmem>>
          %gather3A_414 = tpu.vector_load_idx %gather3A_413[%broadcast_in_dim3A, %add3A_252] : memref<64x512xf32, #tpu.memory_space<vmem>>[vector<16xi32>, vector<16xi32>], vector<16xf32>,
          %add3A_415 = arith.constant 1 : i32
          %add3A_416 = arith.addi %add3A_333, %add3A_415 : i32
          %broadcast_in_dim3A_417 = vector.broadcast %add3A_416 : i32 to vector<16xi32>
          %gather3A_418 = arith.constant 0 : i32
          %gather3A_419 = arith.constant 0 : i32
          %gather3A_420 = tpu.memref_slice %run_scoped3A[%rem3A_199, %gather3A_418, %gather3A_419] : memref<2x64x512xf32, #tpu.memory_space<vmem>> -> memref<1x64x512xf32, #tpu.memory_space<vmem>>
          %gather3A_421 = tpu.memref_squeeze %gather3A_420 : memref<1x64x512xf32, #tpu.memory_space<vmem>> -> memref<64x512xf32, #tpu.memory_space<vmem>>
          %gather3A_422 = tpu.vector_load_idx %gather3A_421[%broadcast_in_dim3A_417, %add3A_207] : memref<64x512xf32, #tpu.memory_space<vmem>>[vector<16xi32>, vector<16xi32>], vector<16xf32>,
          %gather3A_423 = arith.constant 0 : i32
          %gather3A_424 = arith.constant 0 : i32
          %gather3A_425 = tpu.memref_slice %run_scoped3A[%rem3A_199, %gather3A_423, %gather3A_424] : memref<2x64x512xf32, #tpu.memory_space<vmem>> -> memref<1x64x512xf32, #tpu.memory_space<vmem>>
          %gather3A_426 = tpu.memref_squeeze %gather3A_425 : memref<1x64x512xf32, #tpu.memory_space<vmem>> -> memref<64x512xf32, #tpu.memory_space<vmem>>
          %gather3A_427 = tpu.vector_load_idx %gather3A_426[%broadcast_in_dim3A_417, %add3A_210] : memref<64x512xf32, #tpu.memory_space<vmem>>[vector<16xi32>, vector<16xi32>], vector<16xf32>,
          %gather3A_428 = arith.constant 0 : i32
          %gather3A_429 = arith.constant 0 : i32
          %gather3A_430 = tpu.memref_slice %run_scoped3A[%rem3A_199, %gather3A_428, %gather3A_429] : memref<2x64x512xf32, #tpu.memory_space<vmem>> -> memref<1x64x512xf32, #tpu.memory_space<vmem>>
          %gather3A_431 = tpu.memref_squeeze %gather3A_430 : memref<1x64x512xf32, #tpu.memory_space<vmem>> -> memref<64x512xf32, #tpu.memory_space<vmem>>
          %gather3A_432 = tpu.vector_load_idx %gather3A_431[%broadcast_in_dim3A_417, %add3A_213] : memref<64x512xf32, #tpu.memory_space<vmem>>[vector<16xi32>, vector<16xi32>], vector<16xf32>,
          %gather3A_433 = arith.constant 0 : i32
          %gather3A_434 = arith.constant 0 : i32
          %gather3A_435 = tpu.memref_slice %run_scoped3A[%rem3A_199, %gather3A_433, %gather3A_434] : memref<2x64x512xf32, #tpu.memory_space<vmem>> -> memref<1x64x512xf32, #tpu.memory_space<vmem>>
          %gather3A_436 = tpu.memref_squeeze %gather3A_435 : memref<1x64x512xf32, #tpu.memory_space<vmem>> -> memref<64x512xf32, #tpu.memory_space<vmem>>
          %gather3A_437 = tpu.vector_load_idx %gather3A_436[%broadcast_in_dim3A_417, %add3A_216] : memref<64x512xf32, #tpu.memory_space<vmem>>[vector<16xi32>, vector<16xi32>], vector<16xf32>,
          %gather3A_438 = arith.constant 0 : i32
          %gather3A_439 = arith.constant 0 : i32
          %gather3A_440 = tpu.memref_slice %run_scoped3A[%rem3A_199, %gather3A_438, %gather3A_439] : memref<2x64x512xf32, #tpu.memory_space<vmem>> -> memref<1x64x512xf32, #tpu.memory_space<vmem>>
          %gather3A_441 = tpu.memref_squeeze %gather3A_440 : memref<1x64x512xf32, #tpu.memory_space<vmem>> -> memref<64x512xf32, #tpu.memory_space<vmem>>
          %gather3A_442 = tpu.vector_load_idx %gather3A_441[%broadcast_in_dim3A_417, %add3A_219] : memref<64x512xf32, #tpu.memory_space<vmem>>[vector<16xi32>, vector<16xi32>], vector<16xf32>,
          %gather3A_443 = arith.constant 0 : i32
          %gather3A_444 = arith.constant 0 : i32
          %gather3A_445 = tpu.memref_slice %run_scoped3A[%rem3A_199, %gather3A_443, %gather3A_444] : memref<2x64x512xf32, #tpu.memory_space<vmem>> -> memref<1x64x512xf32, #tpu.memory_space<vmem>>
          %gather3A_446 = tpu.memref_squeeze %gather3A_445 : memref<1x64x512xf32, #tpu.memory_space<vmem>> -> memref<64x512xf32, #tpu.memory_space<vmem>>
          %gather3A_447 = tpu.vector_load_idx %gather3A_446[%broadcast_in_dim3A_417, %add3A_222] : memref<64x512xf32, #tpu.memory_space<vmem>>[vector<16xi32>, vector<16xi32>], vector<16xf32>,
          %gather3A_448 = arith.constant 0 : i32
          %gather3A_449 = arith.constant 0 : i32
          %gather3A_450 = tpu.memref_slice %run_scoped3A[%rem3A_199, %gather3A_448, %gather3A_449] : memref<2x64x512xf32, #tpu.memory_space<vmem>> -> memref<1x64x512xf32, #tpu.memory_space<vmem>>
          %gather3A_451 = tpu.memref_squeeze %gather3A_450 : memref<1x64x512xf32, #tpu.memory_space<vmem>> -> memref<64x512xf32, #tpu.memory_space<vmem>>
          %gather3A_452 = tpu.vector_load_idx %gather3A_451[%broadcast_in_dim3A_417, %add3A_225] : memref<64x512xf32, #tpu.memory_space<vmem>>[vector<16xi32>, vector<16xi32>], vector<16xf32>,
          %gather3A_453 = arith.constant 0 : i32
          %gather3A_454 = arith.constant 0 : i32
          %gather3A_455 = tpu.memref_slice %run_scoped3A[%rem3A_199, %gather3A_453, %gather3A_454] : memref<2x64x512xf32, #tpu.memory_space<vmem>> -> memref<1x64x512xf32, #tpu.memory_space<vmem>>
          %gather3A_456 = tpu.memref_squeeze %gather3A_455 : memref<1x64x512xf32, #tpu.memory_space<vmem>> -> memref<64x512xf32, #tpu.memory_space<vmem>>
          %gather3A_457 = tpu.vector_load_idx %gather3A_456[%broadcast_in_dim3A_417, %add3A_228] : memref<64x512xf32, #tpu.memory_space<vmem>>[vector<16xi32>, vector<16xi32>], vector<16xf32>,
          %gather3A_458 = arith.constant 0 : i32
          %gather3A_459 = arith.constant 0 : i32
          %gather3A_460 = tpu.memref_slice %run_scoped3A[%rem3A_199, %gather3A_458, %gather3A_459] : memref<2x64x512xf32, #tpu.memory_space<vmem>> -> memref<1x64x512xf32, #tpu.memory_space<vmem>>
          %gather3A_461 = tpu.memref_squeeze %gather3A_460 : memref<1x64x512xf32, #tpu.memory_space<vmem>> -> memref<64x512xf32, #tpu.memory_space<vmem>>
          %gather3A_462 = tpu.vector_load_idx %gather3A_461[%broadcast_in_dim3A_417, %add3A_231] : memref<64x512xf32, #tpu.memory_space<vmem>>[vector<16xi32>, vector<16xi32>], vector<16xf32>,
          %gather3A_463 = arith.constant 0 : i32
          %gather3A_464 = arith.constant 0 : i32
          %gather3A_465 = tpu.memref_slice %run_scoped3A[%rem3A_199, %gather3A_463, %gather3A_464] : memref<2x64x512xf32, #tpu.memory_space<vmem>> -> memref<1x64x512xf32, #tpu.memory_space<vmem>>
          %gather3A_466 = tpu.memref_squeeze %gather3A_465 : memref<1x64x512xf32, #tpu.memory_space<vmem>> -> memref<64x512xf32, #tpu.memory_space<vmem>>
          %gather3A_467 = tpu.vector_load_idx %gather3A_466[%broadcast_in_dim3A_417, %add3A_234] : memref<64x512xf32, #tpu.memory_space<vmem>>[vector<16xi32>, vector<16xi32>], vector<16xf32>,
          %gather3A_468 = arith.constant 0 : i32
          %gather3A_469 = arith.constant 0 : i32
          %gather3A_470 = tpu.memref_slice %run_scoped3A[%rem3A_199, %gather3A_468, %gather3A_469] : memref<2x64x512xf32, #tpu.memory_space<vmem>> -> memref<1x64x512xf32, #tpu.memory_space<vmem>>
          %gather3A_471 = tpu.memref_squeeze %gather3A_470 : memref<1x64x512xf32, #tpu.memory_space<vmem>> -> memref<64x512xf32, #tpu.memory_space<vmem>>
          %gather3A_472 = tpu.vector_load_idx %gather3A_471[%broadcast_in_dim3A_417, %add3A_237] : memref<64x512xf32, #tpu.memory_space<vmem>>[vector<16xi32>, vector<16xi32>], vector<16xf32>,
          %gather3A_473 = arith.constant 0 : i32
          %gather3A_474 = arith.constant 0 : i32
          %gather3A_475 = tpu.memref_slice %run_scoped3A[%rem3A_199, %gather3A_473, %gather3A_474] : memref<2x64x512xf32, #tpu.memory_space<vmem>> -> memref<1x64x512xf32, #tpu.memory_space<vmem>>
          %gather3A_476 = tpu.memref_squeeze %gather3A_475 : memref<1x64x512xf32, #tpu.memory_space<vmem>> -> memref<64x512xf32, #tpu.memory_space<vmem>>
          %gather3A_477 = tpu.vector_load_idx %gather3A_476[%broadcast_in_dim3A_417, %add3A_240] : memref<64x512xf32, #tpu.memory_space<vmem>>[vector<16xi32>, vector<16xi32>], vector<16xf32>,
          %gather3A_478 = arith.constant 0 : i32
          %gather3A_479 = arith.constant 0 : i32
          %gather3A_480 = tpu.memref_slice %run_scoped3A[%rem3A_199, %gather3A_478, %gather3A_479] : memref<2x64x512xf32, #tpu.memory_space<vmem>> -> memref<1x64x512xf32, #tpu.memory_space<vmem>>
          %gather3A_481 = tpu.memref_squeeze %gather3A_480 : memref<1x64x512xf32, #tpu.memory_space<vmem>> -> memref<64x512xf32, #tpu.memory_space<vmem>>
          %gather3A_482 = tpu.vector_load_idx %gather3A_481[%broadcast_in_dim3A_417, %add3A_243] : memref<64x512xf32, #tpu.memory_space<vmem>>[vector<16xi32>, vector<16xi32>], vector<16xf32>,
          %gather3A_483 = arith.constant 0 : i32
          %gather3A_484 = arith.constant 0 : i32
          %gather3A_485 = tpu.memref_slice %run_scoped3A[%rem3A_199, %gather3A_483, %gather3A_484] : memref<2x64x512xf32, #tpu.memory_space<vmem>> -> memref<1x64x512xf32, #tpu.memory_space<vmem>>
          %gather3A_486 = tpu.memref_squeeze %gather3A_485 : memref<1x64x512xf32, #tpu.memory_space<vmem>> -> memref<64x512xf32, #tpu.memory_space<vmem>>
          %gather3A_487 = tpu.vector_load_idx %gather3A_486[%broadcast_in_dim3A_417, %add3A_246] : memref<64x512xf32, #tpu.memory_space<vmem>>[vector<16xi32>, vector<16xi32>], vector<16xf32>,
          %gather3A_488 = arith.constant 0 : i32
          %gather3A_489 = arith.constant 0 : i32
          %gather3A_490 = tpu.memref_slice %run_scoped3A[%rem3A_199, %gather3A_488, %gather3A_489] : memref<2x64x512xf32, #tpu.memory_space<vmem>> -> memref<1x64x512xf32, #tpu.memory_space<vmem>>
          %gather3A_491 = tpu.memref_squeeze %gather3A_490 : memref<1x64x512xf32, #tpu.memory_space<vmem>> -> memref<64x512xf32, #tpu.memory_space<vmem>>
          %gather3A_492 = tpu.vector_load_idx %gather3A_491[%broadcast_in_dim3A_417, %add3A_249] : memref<64x512xf32, #tpu.memory_space<vmem>>[vector<16xi32>, vector<16xi32>], vector<16xf32>,
          %gather3A_493 = arith.constant 0 : i32
          %gather3A_494 = arith.constant 0 : i32
          %gather3A_495 = tpu.memref_slice %run_scoped3A[%rem3A_199, %gather3A_493, %gather3A_494] : memref<2x64x512xf32, #tpu.memory_space<vmem>> -> memref<1x64x512xf32, #tpu.memory_space<vmem>>
          %gather3A_496 = tpu.memref_squeeze %gather3A_495 : memref<1x64x512xf32, #tpu.memory_space<vmem>> -> memref<64x512xf32, #tpu.memory_space<vmem>>
          %gather3A_497 = tpu.vector_load_idx %gather3A_496[%broadcast_in_dim3A_417, %add3A_252] : memref<64x512xf32, #tpu.memory_space<vmem>>[vector<16xi32>, vector<16xi32>], vector<16xf32>,
          %add3A_498 = arith.constant 0 : i32
          %add3A_499 = arith.addi %add3A_333, %add3A_498 : i32
          %swap3A = arith.constant 0 : i32
          %swap3A_500 = arith.constant 0 : i32
          %swap3A_501 = tpu.memref_slice %run_scoped3A_8[%rem3A_201, %swap3A, %swap3A_500] : memref<2x64x256xf32, #tpu.memory_space<vmem>> -> memref<1x64x256xf32, #tpu.memory_space<vmem>>
          %swap3A_502 = tpu.memref_squeeze %swap3A_501 : memref<1x64x256xf32, #tpu.memory_space<vmem>> -> memref<64x256xf32, #tpu.memory_space<vmem>>
          %swap3A_503 = arith.index_cast %add3A_499 : i32 to index
          %swap3A_504 = arith.constant 0 : index
          %swap3A_505 = tpu.vector_load %swap3A_502[%swap3A_503, %swap3A_504] {strides = array<i32>} : memref<64x256xf32, #tpu.memory_space<vmem>>, vector<16xf32>,
          tpu.vector_store %swap3A_502[%swap3A_503, %swap3A_504], %gather3A_339 {strides = array<i32>} : memref<64x256xf32, #tpu.memory_space<vmem>>, vector<16xf32>,
          %add3A_506 = arith.constant 0 : i32
          %add3A_507 = arith.addi %add3A_333, %add3A_506 : i32
          %swap3A_508 = arith.constant 0 : i32
          %swap3A_509 = arith.constant 0 : i32
          %swap3A_510 = tpu.memref_slice %run_scoped3A_8[%rem3A_201, %swap3A_508, %swap3A_509] : memref<2x64x256xf32, #tpu.memory_space<vmem>> -> memref<1x64x256xf32, #tpu.memory_space<vmem>>
          %swap3A_511 = tpu.memref_squeeze %swap3A_510 : memref<1x64x256xf32, #tpu.memory_space<vmem>> -> memref<64x256xf32, #tpu.memory_space<vmem>>
          %swap3A_512 = arith.index_cast %add3A_507 : i32 to index
          %swap3A_513 = arith.constant 16 : index
          %swap3A_514 = tpu.vector_load %swap3A_511[%swap3A_512, %swap3A_513] {strides = array<i32>} : memref<64x256xf32, #tpu.memory_space<vmem>>, vector<16xf32>,
          tpu.vector_store %swap3A_511[%swap3A_512, %swap3A_513], %gather3A_344 {strides = array<i32>} : memref<64x256xf32, #tpu.memory_space<vmem>>, vector<16xf32>,
          %add3A_515 = arith.constant 0 : i32
          %add3A_516 = arith.addi %add3A_333, %add3A_515 : i32
          %swap3A_517 = arith.constant 0 : i32
          %swap3A_518 = arith.constant 0 : i32
          %swap3A_519 = tpu.memref_slice %run_scoped3A_8[%rem3A_201, %swap3A_517, %swap3A_518] : memref<2x64x256xf32, #tpu.memory_space<vmem>> -> memref<1x64x256xf32, #tpu.memory_space<vmem>>
          %swap3A_520 = tpu.memref_squeeze %swap3A_519 : memref<1x64x256xf32, #tpu.memory_space<vmem>> -> memref<64x256xf32, #tpu.memory_space<vmem>>
          %swap3A_521 = arith.index_cast %add3A_516 : i32 to index
          %swap3A_522 = arith.constant 32 : index
          %swap3A_523 = tpu.vector_load %swap3A_520[%swap3A_521, %swap3A_522] {strides = array<i32>} : memref<64x256xf32, #tpu.memory_space<vmem>>, vector<16xf32>,
          tpu.vector_store %swap3A_520[%swap3A_521, %swap3A_522], %gather3A_349 {strides = array<i32>} : memref<64x256xf32, #tpu.memory_space<vmem>>, vector<16xf32>,
          %add3A_524 = arith.constant 0 : i32
          %add3A_525 = arith.addi %add3A_333, %add3A_524 : i32
          %swap3A_526 = arith.constant 0 : i32
          %swap3A_527 = arith.constant 0 : i32
          %swap3A_528 = tpu.memref_slice %run_scoped3A_8[%rem3A_201, %swap3A_526, %swap3A_527] : memref<2x64x256xf32, #tpu.memory_space<vmem>> -> memref<1x64x256xf32, #tpu.memory_space<vmem>>
          %swap3A_529 = tpu.memref_squeeze %swap3A_528 : memref<1x64x256xf32, #tpu.memory_space<vmem>> -> memref<64x256xf32, #tpu.memory_space<vmem>>
          %swap3A_530 = arith.index_cast %add3A_525 : i32 to index
          %swap3A_531 = arith.constant 48 : index
          %swap3A_532 = tpu.vector_load %swap3A_529[%swap3A_530, %swap3A_531] {strides = array<i32>} : memref<64x256xf32, #tpu.memory_space<vmem>>, vector<16xf32>,
          tpu.vector_store %swap3A_529[%swap3A_530, %swap3A_531], %gather3A_354 {strides = array<i32>} : memref<64x256xf32, #tpu.memory_space<vmem>>, vector<16xf32>,
          %add3A_533 = arith.constant 0 : i32
          %add3A_534 = arith.addi %add3A_333, %add3A_533 : i32
          %swap3A_535 = arith.constant 0 : i32
          %swap3A_536 = arith.constant 0 : i32
          %swap3A_537 = tpu.memref_slice %run_scoped3A_8[%rem3A_201, %swap3A_535, %swap3A_536] : memref<2x64x256xf32, #tpu.memory_space<vmem>> -> memref<1x64x256xf32, #tpu.memory_space<vmem>>
          %swap3A_538 = tpu.memref_squeeze %swap3A_537 : memref<1x64x256xf32, #tpu.memory_space<vmem>> -> memref<64x256xf32, #tpu.memory_space<vmem>>
          %swap3A_539 = arith.index_cast %add3A_534 : i32 to index
          %swap3A_540 = arith.constant 64 : index
          %swap3A_541 = tpu.vector_load %swap3A_538[%swap3A_539, %swap3A_540] {strides = array<i32>} : memref<64x256xf32, #tpu.memory_space<vmem>>, vector<16xf32>,
          tpu.vector_store %swap3A_538[%swap3A_539, %swap3A_540], %gather3A_359 {strides = array<i32>} : memref<64x256xf32, #tpu.memory_space<vmem>>, vector<16xf32>,
          %add3A_542 = arith.constant 0 : i32
          %add3A_543 = arith.addi %add3A_333, %add3A_542 : i32
          %swap3A_544 = arith.constant 0 : i32
          %swap3A_545 = arith.constant 0 : i32
          %swap3A_546 = tpu.memref_slice %run_scoped3A_8[%rem3A_201, %swap3A_544, %swap3A_545] : memref<2x64x256xf32, #tpu.memory_space<vmem>> -> memref<1x64x256xf32, #tpu.memory_space<vmem>>
          %swap3A_547 = tpu.memref_squeeze %swap3A_546 : memref<1x64x256xf32, #tpu.memory_space<vmem>> -> memref<64x256xf32, #tpu.memory_space<vmem>>
          %swap3A_548 = arith.index_cast %add3A_543 : i32 to index
          %swap3A_549 = arith.constant 80 : index
          %swap3A_550 = tpu.vector_load %swap3A_547[%swap3A_548, %swap3A_549] {strides = array<i32>} : memref<64x256xf32, #tpu.memory_space<vmem>>, vector<16xf32>,
          tpu.vector_store %swap3A_547[%swap3A_548, %swap3A_549], %gather3A_364 {strides = array<i32>} : memref<64x256xf32, #tpu.memory_space<vmem>>, vector<16xf32>,
          %add3A_551 = arith.constant 0 : i32
          %add3A_552 = arith.addi %add3A_333, %add3A_551 : i32
          %swap3A_553 = arith.constant 0 : i32
          %swap3A_554 = arith.constant 0 : i32
          %swap3A_555 = tpu.memref_slice %run_scoped3A_8[%rem3A_201, %swap3A_553, %swap3A_554] : memref<2x64x256xf32, #tpu.memory_space<vmem>> -> memref<1x64x256xf32, #tpu.memory_space<vmem>>
          %swap3A_556 = tpu.memref_squeeze %swap3A_555 : memref<1x64x256xf32, #tpu.memory_space<vmem>> -> memref<64x256xf32, #tpu.memory_space<vmem>>
          %swap3A_557 = arith.index_cast %add3A_552 : i32 to index
          %swap3A_558 = arith.constant 96 : index
          %swap3A_559 = tpu.vector_load %swap3A_556[%swap3A_557, %swap3A_558] {strides = array<i32>} : memref<64x256xf32, #tpu.memory_space<vmem>>, vector<16xf32>,
          tpu.vector_store %swap3A_556[%swap3A_557, %swap3A_558], %gather3A_369 {strides = array<i32>} : memref<64x256xf32, #tpu.memory_space<vmem>>, vector<16xf32>,
          %add3A_560 = arith.constant 0 : i32
          %add3A_561 = arith.addi %add3A_333, %add3A_560 : i32
          %swap3A_562 = arith.constant 0 : i32
          %swap3A_563 = arith.constant 0 : i32
          %swap3A_564 = tpu.memref_slice %run_scoped3A_8[%rem3A_201, %swap3A_562, %swap3A_563] : memref<2x64x256xf32, #tpu.memory_space<vmem>> -> memref<1x64x256xf32, #tpu.memory_space<vmem>>
          %swap3A_565 = tpu.memref_squeeze %swap3A_564 : memref<1x64x256xf32, #tpu.memory_space<vmem>> -> memref<64x256xf32, #tpu.memory_space<vmem>>
          %swap3A_566 = arith.index_cast %add3A_561 : i32 to index
          %swap3A_567 = arith.constant 112 : index
          %swap3A_568 = tpu.vector_load %swap3A_565[%swap3A_566, %swap3A_567] {strides = array<i32>} : memref<64x256xf32, #tpu.memory_space<vmem>>, vector<16xf32>,
          tpu.vector_store %swap3A_565[%swap3A_566, %swap3A_567], %gather3A_374 {strides = array<i32>} : memref<64x256xf32, #tpu.memory_space<vmem>>, vector<16xf32>,
          %add3A_569 = arith.constant 0 : i32
          %add3A_570 = arith.addi %add3A_333, %add3A_569 : i32
          %swap3A_571 = arith.constant 0 : i32
          %swap3A_572 = arith.constant 0 : i32
          %swap3A_573 = tpu.memref_slice %run_scoped3A_8[%rem3A_201, %swap3A_571, %swap3A_572] : memref<2x64x256xf32, #tpu.memory_space<vmem>> -> memref<1x64x256xf32, #tpu.memory_space<vmem>>
          %swap3A_574 = tpu.memref_squeeze %swap3A_573 : memref<1x64x256xf32, #tpu.memory_space<vmem>> -> memref<64x256xf32, #tpu.memory_space<vmem>>
          %swap3A_575 = arith.index_cast %add3A_570 : i32 to index
          %swap3A_576 = arith.constant 128 : index
          %swap3A_577 = tpu.vector_load %swap3A_574[%swap3A_575, %swap3A_576] {strides = array<i32>} : memref<64x256xf32, #tpu.memory_space<vmem>>, vector<16xf32>,
          tpu.vector_store %swap3A_574[%swap3A_575, %swap3A_576], %gather3A_379 {strides = array<i32>} : memref<64x256xf32, #tpu.memory_space<vmem>>, vector<16xf32>,
          %add3A_578 = arith.constant 0 : i32
          %add3A_579 = arith.addi %add3A_333, %add3A_578 : i32
          %swap3A_580 = arith.constant 0 : i32
          %swap3A_581 = arith.constant 0 : i32
          %swap3A_582 = tpu.memref_slice %run_scoped3A_8[%rem3A_201, %swap3A_580, %swap3A_581] : memref<2x64x256xf32, #tpu.memory_space<vmem>> -> memref<1x64x256xf32, #tpu.memory_space<vmem>>
          %swap3A_583 = tpu.memref_squeeze %swap3A_582 : memref<1x64x256xf32, #tpu.memory_space<vmem>> -> memref<64x256xf32, #tpu.memory_space<vmem>>
          %swap3A_584 = arith.index_cast %add3A_579 : i32 to index
          %swap3A_585 = arith.constant 144 : index
          %swap3A_586 = tpu.vector_load %swap3A_583[%swap3A_584, %swap3A_585] {strides = array<i32>} : memref<64x256xf32, #tpu.memory_space<vmem>>, vector<16xf32>,
          tpu.vector_store %swap3A_583[%swap3A_584, %swap3A_585], %gather3A_384 {strides = array<i32>} : memref<64x256xf32, #tpu.memory_space<vmem>>, vector<16xf32>,
          %add3A_587 = arith.constant 0 : i32
          %add3A_588 = arith.addi %add3A_333, %add3A_587 : i32
          %swap3A_589 = arith.constant 0 : i32
          %swap3A_590 = arith.constant 0 : i32
          %swap3A_591 = tpu.memref_slice %run_scoped3A_8[%rem3A_201, %swap3A_589, %swap3A_590] : memref<2x64x256xf32, #tpu.memory_space<vmem>> -> memref<1x64x256xf32, #tpu.memory_space<vmem>>
          %swap3A_592 = tpu.memref_squeeze %swap3A_591 : memref<1x64x256xf32, #tpu.memory_space<vmem>> -> memref<64x256xf32, #tpu.memory_space<vmem>>
          %swap3A_593 = arith.index_cast %add3A_588 : i32 to index
          %swap3A_594 = arith.constant 160 : index
          %swap3A_595 = tpu.vector_load %swap3A_592[%swap3A_593, %swap3A_594] {strides = array<i32>} : memref<64x256xf32, #tpu.memory_space<vmem>>, vector<16xf32>,
          tpu.vector_store %swap3A_592[%swap3A_593, %swap3A_594], %gather3A_389 {strides = array<i32>} : memref<64x256xf32, #tpu.memory_space<vmem>>, vector<16xf32>,
          %add3A_596 = arith.constant 0 : i32
          %add3A_597 = arith.addi %add3A_333, %add3A_596 : i32
          %swap3A_598 = arith.constant 0 : i32
          %swap3A_599 = arith.constant 0 : i32
          %swap3A_600 = tpu.memref_slice %run_scoped3A_8[%rem3A_201, %swap3A_598, %swap3A_599] : memref<2x64x256xf32, #tpu.memory_space<vmem>> -> memref<1x64x256xf32, #tpu.memory_space<vmem>>
          %swap3A_601 = tpu.memref_squeeze %swap3A_600 : memref<1x64x256xf32, #tpu.memory_space<vmem>> -> memref<64x256xf32, #tpu.memory_space<vmem>>
          %swap3A_602 = arith.index_cast %add3A_597 : i32 to index
          %swap3A_603 = arith.constant 176 : index
          %swap3A_604 = tpu.vector_load %swap3A_601[%swap3A_602, %swap3A_603] {strides = array<i32>} : memref<64x256xf32, #tpu.memory_space<vmem>>, vector<16xf32>,
          tpu.vector_store %swap3A_601[%swap3A_602, %swap3A_603], %gather3A_394 {strides = array<i32>} : memref<64x256xf32, #tpu.memory_space<vmem>>, vector<16xf32>,
          %add3A_605 = arith.constant 0 : i32
          %add3A_606 = arith.addi %add3A_333, %add3A_605 : i32
          %swap3A_607 = arith.constant 0 : i32
          %swap3A_608 = arith.constant 0 : i32
          %swap3A_609 = tpu.memref_slice %run_scoped3A_8[%rem3A_201, %swap3A_607, %swap3A_608] : memref<2x64x256xf32, #tpu.memory_space<vmem>> -> memref<1x64x256xf32, #tpu.memory_space<vmem>>
          %swap3A_610 = tpu.memref_squeeze %swap3A_609 : memref<1x64x256xf32, #tpu.memory_space<vmem>> -> memref<64x256xf32, #tpu.memory_space<vmem>>
          %swap3A_611 = arith.index_cast %add3A_606 : i32 to index
          %swap3A_612 = arith.constant 192 : index
          %swap3A_613 = tpu.vector_load %swap3A_610[%swap3A_611, %swap3A_612] {strides = array<i32>} : memref<64x256xf32, #tpu.memory_space<vmem>>, vector<16xf32>,
          tpu.vector_store %swap3A_610[%swap3A_611, %swap3A_612], %gather3A_399 {strides = array<i32>} : memref<64x256xf32, #tpu.memory_space<vmem>>, vector<16xf32>,
          %add3A_614 = arith.constant 0 : i32
          %add3A_615 = arith.addi %add3A_333, %add3A_614 : i32
          %swap3A_616 = arith.constant 0 : i32
          %swap3A_617 = arith.constant 0 : i32
          %swap3A_618 = tpu.memref_slice %run_scoped3A_8[%rem3A_201, %swap3A_616, %swap3A_617] : memref<2x64x256xf32, #tpu.memory_space<vmem>> -> memref<1x64x256xf32, #tpu.memory_space<vmem>>
          %swap3A_619 = tpu.memref_squeeze %swap3A_618 : memref<1x64x256xf32, #tpu.memory_space<vmem>> -> memref<64x256xf32, #tpu.memory_space<vmem>>
          %swap3A_620 = arith.index_cast %add3A_615 : i32 to index
          %swap3A_621 = arith.constant 208 : index
          %swap3A_622 = tpu.vector_load %swap3A_619[%swap3A_620, %swap3A_621] {strides = array<i32>} : memref<64x256xf32, #tpu.memory_space<vmem>>, vector<16xf32>,
          tpu.vector_store %swap3A_619[%swap3A_620, %swap3A_621], %gather3A_404 {strides = array<i32>} : memref<64x256xf32, #tpu.memory_space<vmem>>, vector<16xf32>,
          %add3A_623 = arith.constant 0 : i32
          %add3A_624 = arith.addi %add3A_333, %add3A_623 : i32
          %swap3A_625 = arith.constant 0 : i32
          %swap3A_626 = arith.constant 0 : i32
          %swap3A_627 = tpu.memref_slice %run_scoped3A_8[%rem3A_201, %swap3A_625, %swap3A_626] : memref<2x64x256xf32, #tpu.memory_space<vmem>> -> memref<1x64x256xf32, #tpu.memory_space<vmem>>
          %swap3A_628 = tpu.memref_squeeze %swap3A_627 : memref<1x64x256xf32, #tpu.memory_space<vmem>> -> memref<64x256xf32, #tpu.memory_space<vmem>>
          %swap3A_629 = arith.index_cast %add3A_624 : i32 to index
          %swap3A_630 = arith.constant 224 : index
          %swap3A_631 = tpu.vector_load %swap3A_628[%swap3A_629, %swap3A_630] {strides = array<i32>} : memref<64x256xf32, #tpu.memory_space<vmem>>, vector<16xf32>,
          tpu.vector_store %swap3A_628[%swap3A_629, %swap3A_630], %gather3A_409 {strides = array<i32>} : memref<64x256xf32, #tpu.memory_space<vmem>>, vector<16xf32>,
          %add3A_632 = arith.constant 0 : i32
          %add3A_633 = arith.addi %add3A_333, %add3A_632 : i32
          %swap3A_634 = arith.constant 0 : i32
          %swap3A_635 = arith.constant 0 : i32
          %swap3A_636 = tpu.memref_slice %run_scoped3A_8[%rem3A_201, %swap3A_634, %swap3A_635] : memref<2x64x256xf32, #tpu.memory_space<vmem>> -> memref<1x64x256xf32, #tpu.memory_space<vmem>>
          %swap3A_637 = tpu.memref_squeeze %swap3A_636 : memref<1x64x256xf32, #tpu.memory_space<vmem>> -> memref<64x256xf32, #tpu.memory_space<vmem>>
          %swap3A_638 = arith.index_cast %add3A_633 : i32 to index
          %swap3A_639 = arith.constant 240 : index
          %swap3A_640 = tpu.vector_load %swap3A_637[%swap3A_638, %swap3A_639] {strides = array<i32>} : memref<64x256xf32, #tpu.memory_space<vmem>>, vector<16xf32>,
          tpu.vector_store %swap3A_637[%swap3A_638, %swap3A_639], %gather3A_414 {strides = array<i32>} : memref<64x256xf32, #tpu.memory_space<vmem>>, vector<16xf32>,
          %add3A_641 = arith.constant 1 : i32
          %add3A_642 = arith.addi %add3A_333, %add3A_641 : i32
          %swap3A_643 = arith.constant 0 : i32
          %swap3A_644 = arith.constant 0 : i32
          %swap3A_645 = tpu.memref_slice %run_scoped3A_8[%rem3A_201, %swap3A_643, %swap3A_644] : memref<2x64x256xf32, #tpu.memory_space<vmem>> -> memref<1x64x256xf32, #tpu.memory_space<vmem>>
          %swap3A_646 = tpu.memref_squeeze %swap3A_645 : memref<1x64x256xf32, #tpu.memory_space<vmem>> -> memref<64x256xf32, #tpu.memory_space<vmem>>
          %swap3A_647 = arith.index_cast %add3A_642 : i32 to index
          %swap3A_648 = arith.constant 0 : index
          %swap3A_649 = tpu.vector_load %swap3A_646[%swap3A_647, %swap3A_648] {strides = array<i32>} : memref<64x256xf32, #tpu.memory_space<vmem>>, vector<16xf32>,
          tpu.vector_store %swap3A_646[%swap3A_647, %swap3A_648], %gather3A_422 {strides = array<i32>} : memref<64x256xf32, #tpu.memory_space<vmem>>, vector<16xf32>,
          %add3A_650 = arith.constant 1 : i32
          %add3A_651 = arith.addi %add3A_333, %add3A_650 : i32
          %swap3A_652 = arith.constant 0 : i32
          %swap3A_653 = arith.constant 0 : i32
          %swap3A_654 = tpu.memref_slice %run_scoped3A_8[%rem3A_201, %swap3A_652, %swap3A_653] : memref<2x64x256xf32, #tpu.memory_space<vmem>> -> memref<1x64x256xf32, #tpu.memory_space<vmem>>
          %swap3A_655 = tpu.memref_squeeze %swap3A_654 : memref<1x64x256xf32, #tpu.memory_space<vmem>> -> memref<64x256xf32, #tpu.memory_space<vmem>>
          %swap3A_656 = arith.index_cast %add3A_651 : i32 to index
          %swap3A_657 = arith.constant 16 : index
          %swap3A_658 = tpu.vector_load %swap3A_655[%swap3A_656, %swap3A_657] {strides = array<i32>} : memref<64x256xf32, #tpu.memory_space<vmem>>, vector<16xf32>,
          tpu.vector_store %swap3A_655[%swap3A_656, %swap3A_657], %gather3A_427 {strides = array<i32>} : memref<64x256xf32, #tpu.memory_space<vmem>>, vector<16xf32>,
          %add3A_659 = arith.constant 1 : i32
          %add3A_660 = arith.addi %add3A_333, %add3A_659 : i32
          %swap3A_661 = arith.constant 0 : i32
          %swap3A_662 = arith.constant 0 : i32
          %swap3A_663 = tpu.memref_slice %run_scoped3A_8[%rem3A_201, %swap3A_661, %swap3A_662] : memref<2x64x256xf32, #tpu.memory_space<vmem>> -> memref<1x64x256xf32, #tpu.memory_space<vmem>>
          %swap3A_664 = tpu.memref_squeeze %swap3A_663 : memref<1x64x256xf32, #tpu.memory_space<vmem>> -> memref<64x256xf32, #tpu.memory_space<vmem>>
          %swap3A_665 = arith.index_cast %add3A_660 : i32 to index
          %swap3A_666 = arith.constant 32 : index
          %swap3A_667 = tpu.vector_load %swap3A_664[%swap3A_665, %swap3A_666] {strides = array<i32>} : memref<64x256xf32, #tpu.memory_space<vmem>>, vector<16xf32>,
          tpu.vector_store %swap3A_664[%swap3A_665, %swap3A_666], %gather3A_432 {strides = array<i32>} : memref<64x256xf32, #tpu.memory_space<vmem>>, vector<16xf32>,
          %add3A_668 = arith.constant 1 : i32
          %add3A_669 = arith.addi %add3A_333, %add3A_668 : i32
          %swap3A_670 = arith.constant 0 : i32
          %swap3A_671 = arith.constant 0 : i32
          %swap3A_672 = tpu.memref_slice %run_scoped3A_8[%rem3A_201, %swap3A_670, %swap3A_671] : memref<2x64x256xf32, #tpu.memory_space<vmem>> -> memref<1x64x256xf32, #tpu.memory_space<vmem>>
          %swap3A_673 = tpu.memref_squeeze %swap3A_672 : memref<1x64x256xf32, #tpu.memory_space<vmem>> -> memref<64x256xf32, #tpu.memory_space<vmem>>
          %swap3A_674 = arith.index_cast %add3A_669 : i32 to index
          %swap3A_675 = arith.constant 48 : index
          %swap3A_676 = tpu.vector_load %swap3A_673[%swap3A_674, %swap3A_675] {strides = array<i32>} : memref<64x256xf32, #tpu.memory_space<vmem>>, vector<16xf32>,
          tpu.vector_store %swap3A_673[%swap3A_674, %swap3A_675], %gather3A_437 {strides = array<i32>} : memref<64x256xf32, #tpu.memory_space<vmem>>, vector<16xf32>,
          %add3A_677 = arith.constant 1 : i32
          %add3A_678 = arith.addi %add3A_333, %add3A_677 : i32
          %swap3A_679 = arith.constant 0 : i32
          %swap3A_680 = arith.constant 0 : i32
          %swap3A_681 = tpu.memref_slice %run_scoped3A_8[%rem3A_201, %swap3A_679, %swap3A_680] : memref<2x64x256xf32, #tpu.memory_space<vmem>> -> memref<1x64x256xf32, #tpu.memory_space<vmem>>
          %swap3A_682 = tpu.memref_squeeze %swap3A_681 : memref<1x64x256xf32, #tpu.memory_space<vmem>> -> memref<64x256xf32, #tpu.memory_space<vmem>>
          %swap3A_683 = arith.index_cast %add3A_678 : i32 to index
          %swap3A_684 = arith.constant 64 : index
          %swap3A_685 = tpu.vector_load %swap3A_682[%swap3A_683, %swap3A_684] {strides = array<i32>} : memref<64x256xf32, #tpu.memory_space<vmem>>, vector<16xf32>,
          tpu.vector_store %swap3A_682[%swap3A_683, %swap3A_684], %gather3A_442 {strides = array<i32>} : memref<64x256xf32, #tpu.memory_space<vmem>>, vector<16xf32>,
          %add3A_686 = arith.constant 1 : i32
          %add3A_687 = arith.addi %add3A_333, %add3A_686 : i32
          %swap3A_688 = arith.constant 0 : i32
          %swap3A_689 = arith.constant 0 : i32
          %swap3A_690 = tpu.memref_slice %run_scoped3A_8[%rem3A_201, %swap3A_688, %swap3A_689] : memref<2x64x256xf32, #tpu.memory_space<vmem>> -> memref<1x64x256xf32, #tpu.memory_space<vmem>>
          %swap3A_691 = tpu.memref_squeeze %swap3A_690 : memref<1x64x256xf32, #tpu.memory_space<vmem>> -> memref<64x256xf32, #tpu.memory_space<vmem>>
          %swap3A_692 = arith.index_cast %add3A_687 : i32 to index
          %swap3A_693 = arith.constant 80 : index
          %swap3A_694 = tpu.vector_load %swap3A_691[%swap3A_692, %swap3A_693] {strides = array<i32>} : memref<64x256xf32, #tpu.memory_space<vmem>>, vector<16xf32>,
          tpu.vector_store %swap3A_691[%swap3A_692, %swap3A_693], %gather3A_447 {strides = array<i32>} : memref<64x256xf32, #tpu.memory_space<vmem>>, vector<16xf32>,
          %add3A_695 = arith.constant 1 : i32
          %add3A_696 = arith.addi %add3A_333, %add3A_695 : i32
          %swap3A_697 = arith.constant 0 : i32
          %swap3A_698 = arith.constant 0 : i32
          %swap3A_699 = tpu.memref_slice %run_scoped3A_8[%rem3A_201, %swap3A_697, %swap3A_698] : memref<2x64x256xf32, #tpu.memory_space<vmem>> -> memref<1x64x256xf32, #tpu.memory_space<vmem>>
          %swap3A_700 = tpu.memref_squeeze %swap3A_699 : memref<1x64x256xf32, #tpu.memory_space<vmem>> -> memref<64x256xf32, #tpu.memory_space<vmem>>
          %swap3A_701 = arith.index_cast %add3A_696 : i32 to index
          %swap3A_702 = arith.constant 96 : index
          %swap3A_703 = tpu.vector_load %swap3A_700[%swap3A_701, %swap3A_702] {strides = array<i32>} : memref<64x256xf32, #tpu.memory_space<vmem>>, vector<16xf32>,
          tpu.vector_store %swap3A_700[%swap3A_701, %swap3A_702], %gather3A_452 {strides = array<i32>} : memref<64x256xf32, #tpu.memory_space<vmem>>, vector<16xf32>,
          %add3A_704 = arith.constant 1 : i32
          %add3A_705 = arith.addi %add3A_333, %add3A_704 : i32
          %swap3A_706 = arith.constant 0 : i32
          %swap3A_707 = arith.constant 0 : i32
          %swap3A_708 = tpu.memref_slice %run_scoped3A_8[%rem3A_201, %swap3A_706, %swap3A_707] : memref<2x64x256xf32, #tpu.memory_space<vmem>> -> memref<1x64x256xf32, #tpu.memory_space<vmem>>
          %swap3A_709 = tpu.memref_squeeze %swap3A_708 : memref<1x64x256xf32, #tpu.memory_space<vmem>> -> memref<64x256xf32, #tpu.memory_space<vmem>>
          %swap3A_710 = arith.index_cast %add3A_705 : i32 to index
          %swap3A_711 = arith.constant 112 : index
          %swap3A_712 = tpu.vector_load %swap3A_709[%swap3A_710, %swap3A_711] {strides = array<i32>} : memref<64x256xf32, #tpu.memory_space<vmem>>, vector<16xf32>,
          tpu.vector_store %swap3A_709[%swap3A_710, %swap3A_711], %gather3A_457 {strides = array<i32>} : memref<64x256xf32, #tpu.memory_space<vmem>>, vector<16xf32>,
          %add3A_713 = arith.constant 1 : i32
          %add3A_714 = arith.addi %add3A_333, %add3A_713 : i32
          %swap3A_715 = arith.constant 0 : i32
          %swap3A_716 = arith.constant 0 : i32
          %swap3A_717 = tpu.memref_slice %run_scoped3A_8[%rem3A_201, %swap3A_715, %swap3A_716] : memref<2x64x256xf32, #tpu.memory_space<vmem>> -> memref<1x64x256xf32, #tpu.memory_space<vmem>>
          %swap3A_718 = tpu.memref_squeeze %swap3A_717 : memref<1x64x256xf32, #tpu.memory_space<vmem>> -> memref<64x256xf32, #tpu.memory_space<vmem>>
          %swap3A_719 = arith.index_cast %add3A_714 : i32 to index
          %swap3A_720 = arith.constant 128 : index
          %swap3A_721 = tpu.vector_load %swap3A_718[%swap3A_719, %swap3A_720] {strides = array<i32>} : memref<64x256xf32, #tpu.memory_space<vmem>>, vector<16xf32>,
          tpu.vector_store %swap3A_718[%swap3A_719, %swap3A_720], %gather3A_462 {strides = array<i32>} : memref<64x256xf32, #tpu.memory_space<vmem>>, vector<16xf32>,
          %add3A_722 = arith.constant 1 : i32
          %add3A_723 = arith.addi %add3A_333, %add3A_722 : i32
          %swap3A_724 = arith.constant 0 : i32
          %swap3A_725 = arith.constant 0 : i32
          %swap3A_726 = tpu.memref_slice %run_scoped3A_8[%rem3A_201, %swap3A_724, %swap3A_725] : memref<2x64x256xf32, #tpu.memory_space<vmem>> -> memref<1x64x256xf32, #tpu.memory_space<vmem>>
          %swap3A_727 = tpu.memref_squeeze %swap3A_726 : memref<1x64x256xf32, #tpu.memory_space<vmem>> -> memref<64x256xf32, #tpu.memory_space<vmem>>
          %swap3A_728 = arith.index_cast %add3A_723 : i32 to index
          %swap3A_729 = arith.constant 144 : index
          %swap3A_730 = tpu.vector_load %swap3A_727[%swap3A_728, %swap3A_729] {strides = array<i32>} : memref<64x256xf32, #tpu.memory_space<vmem>>, vector<16xf32>,
          tpu.vector_store %swap3A_727[%swap3A_728, %swap3A_729], %gather3A_467 {strides = array<i32>} : memref<64x256xf32, #tpu.memory_space<vmem>>, vector<16xf32>,
          %add3A_731 = arith.constant 1 : i32
          %add3A_732 = arith.addi %add3A_333, %add3A_731 : i32
          %swap3A_733 = arith.constant 0 : i32
          %swap3A_734 = arith.constant 0 : i32
          %swap3A_735 = tpu.memref_slice %run_scoped3A_8[%rem3A_201, %swap3A_733, %swap3A_734] : memref<2x64x256xf32, #tpu.memory_space<vmem>> -> memref<1x64x256xf32, #tpu.memory_space<vmem>>
          %swap3A_736 = tpu.memref_squeeze %swap3A_735 : memref<1x64x256xf32, #tpu.memory_space<vmem>> -> memref<64x256xf32, #tpu.memory_space<vmem>>
          %swap3A_737 = arith.index_cast %add3A_732 : i32 to index
          %swap3A_738 = arith.constant 160 : index
          %swap3A_739 = tpu.vector_load %swap3A_736[%swap3A_737, %swap3A_738] {strides = array<i32>} : memref<64x256xf32, #tpu.memory_space<vmem>>, vector<16xf32>,
          tpu.vector_store %swap3A_736[%swap3A_737, %swap3A_738], %gather3A_472 {strides = array<i32>} : memref<64x256xf32, #tpu.memory_space<vmem>>, vector<16xf32>,
          %add3A_740 = arith.constant 1 : i32
          %add3A_741 = arith.addi %add3A_333, %add3A_740 : i32
          %swap3A_742 = arith.constant 0 : i32
          %swap3A_743 = arith.constant 0 : i32
          %swap3A_744 = tpu.memref_slice %run_scoped3A_8[%rem3A_201, %swap3A_742, %swap3A_743] : memref<2x64x256xf32, #tpu.memory_space<vmem>> -> memref<1x64x256xf32, #tpu.memory_space<vmem>>
          %swap3A_745 = tpu.memref_squeeze %swap3A_744 : memref<1x64x256xf32, #tpu.memory_space<vmem>> -> memref<64x256xf32, #tpu.memory_space<vmem>>
          %swap3A_746 = arith.index_cast %add3A_741 : i32 to index
          %swap3A_747 = arith.constant 176 : index
          %swap3A_748 = tpu.vector_load %swap3A_745[%swap3A_746, %swap3A_747] {strides = array<i32>} : memref<64x256xf32, #tpu.memory_space<vmem>>, vector<16xf32>,
          tpu.vector_store %swap3A_745[%swap3A_746, %swap3A_747], %gather3A_477 {strides = array<i32>} : memref<64x256xf32, #tpu.memory_space<vmem>>, vector<16xf32>,
          %add3A_749 = arith.constant 1 : i32
          %add3A_750 = arith.addi %add3A_333, %add3A_749 : i32
          %swap3A_751 = arith.constant 0 : i32
          %swap3A_752 = arith.constant 0 : i32
          %swap3A_753 = tpu.memref_slice %run_scoped3A_8[%rem3A_201, %swap3A_751, %swap3A_752] : memref<2x64x256xf32, #tpu.memory_space<vmem>> -> memref<1x64x256xf32, #tpu.memory_space<vmem>>
          %swap3A_754 = tpu.memref_squeeze %swap3A_753 : memref<1x64x256xf32, #tpu.memory_space<vmem>> -> memref<64x256xf32, #tpu.memory_space<vmem>>
          %swap3A_755 = arith.index_cast %add3A_750 : i32 to index
          %swap3A_756 = arith.constant 192 : index
          %swap3A_757 = tpu.vector_load %swap3A_754[%swap3A_755, %swap3A_756] {strides = array<i32>} : memref<64x256xf32, #tpu.memory_space<vmem>>, vector<16xf32>,
          tpu.vector_store %swap3A_754[%swap3A_755, %swap3A_756], %gather3A_482 {strides = array<i32>} : memref<64x256xf32, #tpu.memory_space<vmem>>, vector<16xf32>,
          %add3A_758 = arith.constant 1 : i32
          %add3A_759 = arith.addi %add3A_333, %add3A_758 : i32
          %swap3A_760 = arith.constant 0 : i32
          %swap3A_761 = arith.constant 0 : i32
          %swap3A_762 = tpu.memref_slice %run_scoped3A_8[%rem3A_201, %swap3A_760, %swap3A_761] : memref<2x64x256xf32, #tpu.memory_space<vmem>> -> memref<1x64x256xf32, #tpu.memory_space<vmem>>
          %swap3A_763 = tpu.memref_squeeze %swap3A_762 : memref<1x64x256xf32, #tpu.memory_space<vmem>> -> memref<64x256xf32, #tpu.memory_space<vmem>>
          %swap3A_764 = arith.index_cast %add3A_759 : i32 to index
          %swap3A_765 = arith.constant 208 : index
          %swap3A_766 = tpu.vector_load %swap3A_763[%swap3A_764, %swap3A_765] {strides = array<i32>} : memref<64x256xf32, #tpu.memory_space<vmem>>, vector<16xf32>,
          tpu.vector_store %swap3A_763[%swap3A_764, %swap3A_765], %gather3A_487 {strides = array<i32>} : memref<64x256xf32, #tpu.memory_space<vmem>>, vector<16xf32>,
          %add3A_767 = arith.constant 1 : i32
          %add3A_768 = arith.addi %add3A_333, %add3A_767 : i32
          %swap3A_769 = arith.constant 0 : i32
          %swap3A_770 = arith.constant 0 : i32
          %swap3A_771 = tpu.memref_slice %run_scoped3A_8[%rem3A_201, %swap3A_769, %swap3A_770] : memref<2x64x256xf32, #tpu.memory_space<vmem>> -> memref<1x64x256xf32, #tpu.memory_space<vmem>>
          %swap3A_772 = tpu.memref_squeeze %swap3A_771 : memref<1x64x256xf32, #tpu.memory_space<vmem>> -> memref<64x256xf32, #tpu.memory_space<vmem>>
          %swap3A_773 = arith.index_cast %add3A_768 : i32 to index
          %swap3A_774 = arith.constant 224 : index
          %swap3A_775 = tpu.vector_load %swap3A_772[%swap3A_773, %swap3A_774] {strides = array<i32>} : memref<64x256xf32, #tpu.memory_space<vmem>>, vector<16xf32>,
          tpu.vector_store %swap3A_772[%swap3A_773, %swap3A_774], %gather3A_492 {strides = array<i32>} : memref<64x256xf32, #tpu.memory_space<vmem>>, vector<16xf32>,
          %add3A_776 = arith.constant 1 : i32
          %add3A_777 = arith.addi %add3A_333, %add3A_776 : i32
          %swap3A_778 = arith.constant 0 : i32
          %swap3A_779 = arith.constant 0 : i32
          %swap3A_780 = tpu.memref_slice %run_scoped3A_8[%rem3A_201, %swap3A_778, %swap3A_779] : memref<2x64x256xf32, #tpu.memory_space<vmem>> -> memref<1x64x256xf32, #tpu.memory_space<vmem>>
          %swap3A_781 = tpu.memref_squeeze %swap3A_780 : memref<1x64x256xf32, #tpu.memory_space<vmem>> -> memref<64x256xf32, #tpu.memory_space<vmem>>
          %swap3A_782 = arith.index_cast %add3A_777 : i32 to index
          %swap3A_783 = arith.constant 240 : index
          %swap3A_784 = tpu.vector_load %swap3A_781[%swap3A_782, %swap3A_783] {strides = array<i32>} : memref<64x256xf32, #tpu.memory_space<vmem>>, vector<16xf32>,
          tpu.vector_store %swap3A_781[%swap3A_782, %swap3A_783], %gather3A_497 {strides = array<i32>} : memref<64x256xf32, #tpu.memory_space<vmem>>, vector<16xf32>,
        }
        %scan3A_257 = arith.constant 32 : i32
        "tpu.trace_stop"() : () -> ()
        %ne3A_258 = arith.cmpi ne, %add3A_131, %add3A_149 : i32
        %or3A_259 = arith.constant false
        %or3A_260 = arith.ori %or3A_259, %ne3A_258 : i1
        %or3A_261 = arith.constant false
        %or3A_262 = arith.ori %or3A_260, %or3A_261 : i1
        %or3A_263 = arith.ori %or3A_262, %eq3A_130 : i1
        %convert_element_type3A_264 = arith.extui %or3A_263 : i1 to i32
        %cond3A_265 = arith.constant 0 : i32
        %cond3A_266 = arith.cmpi ne, %convert_element_type3A_264, %cond3A_265 : i32
        scf.if %cond3A_266 {
        } else {
        }
        %and3A_267 = arith.constant false
        %and3A_268 = arith.andi %or3A_263, %and3A_267 : i1
        %ne3A_269 = arith.cmpi ne, %add3A_131, %add3A_149 : i32
        %or3A_270 = arith.constant false
        %or3A_271 = arith.ori %or3A_270, %ne3A_269 : i1
        %or3A_272 = arith.constant false
        %or3A_273 = arith.ori %or3A_271, %or3A_272 : i1
        %or3A_274 = arith.ori %or3A_273, %eq3A_130 : i1
        %convert_element_type3A_275 = arith.extui %or3A_274 : i1 to i32
        %cond3A_276 = arith.constant 0 : i32
        %cond3A_277 = arith.cmpi ne, %convert_element_type3A_275, %cond3A_276 : i32
        scf.if %cond3A_277 {
          "tpu.trace_start"() <{level = 10 : i32, message = "ep_copy_out"}> : () -> ()
          %rem3A_329 = arith.constant 2 : i32
          %rem3A_330 = arith.remui %scan3A_124, %rem3A_329 : i32
          %mul3A_331 = arith.constant 64 : i32
          %mul3A_332 = arith.muli %mul3A_331, %add3A_131 : i32
          %dma_start3A_333 = arith.constant 0 : i32
          %dma_start3A_334 = arith.constant 0 : i32
          %dma_start3A_335 = tpu.memref_slice %run_scoped3A_8[%rem3A_330, %dma_start3A_333, %dma_start3A_334] : memref<2x64x256xf32, #tpu.memory_space<vmem>> -> memref<1x64x256xf32, #tpu.memory_space<vmem>>
          %dma_start3A_336 = tpu.memref_squeeze %dma_start3A_335 : memref<1x64x256xf32, #tpu.memory_space<vmem>> -> memref<64x256xf32, #tpu.memory_space<vmem>>
          %dma_start3A_337 = arith.constant 0 : i32
          %dma_start3A_338 = tpu.memref_slice %arg3[%mul3A_332, %dma_start3A_337] : memref<16384x256xf32, #tpu.memory_space<hbm>> -> memref<64x256xf32, #tpu.memory_space<hbm>>
          %dma_start3A_339 = tpu.memref_slice %run_scoped3A_9[%rem3A_330] : memref<2x!tpu.dma_semaphore, #tpu.memory_space<semaphore_mem>> -> memref<1x!tpu.dma_semaphore, #tpu.memory_space<semaphore_mem>>
          %dma_start3A_340 = tpu.memref_squeeze %dma_start3A_339 : memref<1x!tpu.dma_semaphore, #tpu.memory_space<semaphore_mem>> -> memref<!tpu.dma_semaphore, #tpu.memory_space<semaphore_mem>>
          %dma_start3A_341 = arith.constant 0 : i32
          %dma_start3A_342 = tpu.memref_slice %arg3[%mul3A_332, %dma_start3A_341] : memref<16384x256xf32, #tpu.memory_space<hbm>> -> memref<64x256xf32, #tpu.memory_space<hbm>>
          %dma_start3A_343 = arith.constant 0 : i32
          %dma_start3A_344 = arith.constant 0 : i32
          %dma_start3A_345 = tpu.memref_slice %run_scoped3A_8[%rem3A_330, %dma_start3A_343, %dma_start3A_344] : memref<2x64x256xf32, #tpu.memory_space<vmem>> -> memref<1x64x256xf32, #tpu.memory_space<vmem>>
          %dma_start3A_346 = tpu.memref_squeeze %dma_start3A_345 : memref<1x64x256xf32, #tpu.memory_space<vmem>> -> memref<64x256xf32, #tpu.memory_space<vmem>>
          tpu.enqueue_dma source(%dma_start3A_346 : memref<64x256xf32, #tpu.memory_space<vmem>>) target(%dma_start3A_342 : memref<64x256xf32, #tpu.memory_space<hbm>>) target_semaphore(%dma_start3A_340 : memref<!tpu.dma_semaphore, #tpu.memory_space<semaphore_mem>>)
          "tpu.trace_stop"() : () -> ()
        } else {
        }
        %and3A_278 = arith.constant true
        %and3A_279 = arith.andi %or3A_274, %and3A_278 : i1
        %add3A_280 = arith.constant 1 : i32
        %add3A_281 = arith.addi %scan3A_124, %add3A_280 : i32
        %select_n3A_282 = arith.select %and3A_279, %add3A_281, %scan3A_124 : i32
        %ne3A_283 = arith.cmpi ne, %add3A_131, %add3A_140 : i32
        %or3A_284 = arith.constant false
        %or3A_285 = arith.ori %or3A_284, %ne3A_283 : i1
        %or3A_286 = arith.constant false
        %or3A_287 = arith.ori %or3A_285, %or3A_286 : i1
        %not3A_288 = arith.constant true
        %not3A_289 = arith.xori %eq3A_128, %not3A_288 : i1
        %and3A_290 = arith.andi %or3A_287, %not3A_289 : i1
        %convert_element_type3A_291 = arith.extui %and3A_290 : i1 to i32
        %cond3A_292 = arith.constant 0 : i32
        %cond3A_293 = arith.cmpi ne, %convert_element_type3A_291, %cond3A_292 : i32
        scf.if %cond3A_293 {
        } else {
        }
        %and3A_294 = arith.constant false
        %and3A_295 = arith.andi %and3A_290, %and3A_294 : i1
        %ne3A_296 = arith.cmpi ne, %add3A_131, %add3A_140 : i32
        %or3A_297 = arith.constant false
        %or3A_298 = arith.ori %or3A_297, %ne3A_296 : i1
        %or3A_299 = arith.constant false
        %or3A_300 = arith.ori %or3A_298, %or3A_299 : i1
        %not3A_301 = arith.constant true
        %not3A_302 = arith.xori %eq3A_128, %not3A_301 : i1
        %and3A_303 = arith.andi %or3A_300, %not3A_302 : i1
        %convert_element_type3A_304 = arith.extui %and3A_303 : i1 to i32
        %cond3A_305 = arith.constant 0 : i32
        %cond3A_306 = arith.cmpi ne, %convert_element_type3A_304, %cond3A_305 : i32
        scf.if %cond3A_306 {
          "tpu.trace_start"() <{level = 10 : i32, message = "ep_wait_out"}> : () -> ()
          %rem3A_329 = arith.constant 2 : i32
          %rem3A_330 = arith.remui %scan3A_125, %rem3A_329 : i32
          %mul3A_331 = arith.constant 64 : i32
          %mul3A_332 = arith.muli %mul3A_331, %add3A_140 : i32
          %dma_wait3A_333 = arith.constant 0 : i32
          %dma_wait3A_334 = arith.constant 0 : i32
          %dma_wait3A_335 = tpu.memref_slice %run_scoped3A_8[%rem3A_330, %dma_wait3A_333, %dma_wait3A_334] : memref<2x64x256xf32, #tpu.memory_space<vmem>> -> memref<1x64x256xf32, #tpu.memory_space<vmem>>
          %dma_wait3A_336 = tpu.memref_squeeze %dma_wait3A_335 : memref<1x64x256xf32, #tpu.memory_space<vmem>> -> memref<64x256xf32, #tpu.memory_space<vmem>>
          %dma_wait3A_337 = arith.constant 0 : i32
          %dma_wait3A_338 = tpu.memref_slice %arg3[%mul3A_332, %dma_wait3A_337] : memref<16384x256xf32, #tpu.memory_space<hbm>> -> memref<64x256xf32, #tpu.memory_space<hbm>>
          %dma_wait3A_339 = tpu.memref_slice %run_scoped3A_9[%rem3A_330] : memref<2x!tpu.dma_semaphore, #tpu.memory_space<semaphore_mem>> -> memref<1x!tpu.dma_semaphore, #tpu.memory_space<semaphore_mem>>
          %dma_wait3A_340 = tpu.memref_squeeze %dma_wait3A_339 : memref<1x!tpu.dma_semaphore, #tpu.memory_space<semaphore_mem>> -> memref<!tpu.dma_semaphore, #tpu.memory_space<semaphore_mem>>
          %dma_wait3A_341 = arith.constant 0 : i32
          %dma_wait3A_342 = tpu.memref_slice %arg3[%mul3A_332, %dma_wait3A_341] : memref<16384x256xf32, #tpu.memory_space<hbm>> -> memref<64x256xf32, #tpu.memory_space<hbm>>
          %dma_wait3A_343 = arith.constant 0 : i32
          %dma_wait3A_344 = arith.constant 0 : i32
          %dma_wait3A_345 = tpu.memref_slice %run_scoped3A_8[%rem3A_330, %dma_wait3A_343, %dma_wait3A_344] : memref<2x64x256xf32, #tpu.memory_space<vmem>> -> memref<1x64x256xf32, #tpu.memory_space<vmem>>
          %dma_wait3A_346 = tpu.memref_squeeze %dma_wait3A_345 : memref<1x64x256xf32, #tpu.memory_space<vmem>> -> memref<64x256xf32, #tpu.memory_space<vmem>>
          tpu.wait_dma2 semaphore(%dma_wait3A_340 : memref<!tpu.dma_semaphore, #tpu.memory_space<semaphore_mem>>) src(%dma_wait3A_346 : memref<64x256xf32, #tpu.memory_space<vmem>>) dst(%dma_wait3A_342 : memref<64x256xf32, #tpu.memory_space<hbm>>)
          "tpu.trace_stop"() : () -> ()
        } else {
        }
        %and3A_307 = arith.constant true
        %and3A_308 = arith.andi %and3A_303, %and3A_307 : i1
        %add3A_309 = arith.constant 1 : i32
        %add3A_310 = arith.addi %scan3A_125, %add3A_309 : i32
        %select_n3A_311 = arith.select %and3A_308, %add3A_310, %scan3A_125 : i32
        %ne3A_312 = arith.cmpi ne, %add3A_131, %add3A_149 : i32
        %or3A_313 = arith.constant false
        %or3A_314 = arith.ori %or3A_313, %ne3A_312 : i1
        %or3A_315 = arith.constant false
        %or3A_316 = arith.ori %or3A_314, %or3A_315 : i1
        %or3A_317 = arith.ori %or3A_316, %eq3A_130 : i1
        %add3A_318 = arith.constant 1 : i32
        %add3A_319 = arith.addi %scan3A_123, %add3A_318 : i32
        %select_n3A_320 = arith.select %or3A_317, %add3A_319, %scan3A_123 : i32
        %add3A_321 = arith.constant 1 : i32
        %add3A_322 = arith.addi %scan3A_126, %add3A_321 : i32
        %select_n3A_323 = arith.constant true
        %select_n3A_324 = arith.select %select_n3A_323, %add3A_322, %scan3A_126 : i32
        %eq3A_325 = arith.constant 8 : i32
        %eq3A_326 = arith.cmpi eq, %select_n3A_324, %eq3A_325 : i32
        %select_n3A_327 = arith.constant 0 : i32
        %select_n3A_328 = arith.select %eq3A_326, %select_n3A_327, %select_n3A_324 : i32
        scf.yield %select_n3A_169, %select_n3A_320, %select_n3A_282, %select_n3A_311, %select_n3A_328 : i32, i32, i32, i32, i32
      }
      %scan3A_68 = arith.constant 8 : i32
      %sub3A = arith.constant 1 : i32
      %sub3A_69 = arith.subi %scan3A_67#4, %sub3A : i32
      %select_n3A_70 = arith.constant true
      %select_n3A_71 = arith.select %select_n3A_70, %sub3A_69, %scan3A_67#4 : i32
      %eq3A_72 = arith.constant -1 : i32
      %eq3A_73 = arith.cmpi eq, %select_n3A_71, %eq3A_72 : i32
      %select_n3A_74 = arith.constant 7 : i32
      %select_n3A_75 = arith.select %eq3A_73, %select_n3A_74, %select_n3A_71 : i32
      %add3A_76 = arith.addi %select_n3A_75, %mul3A_6 : i32
      %sub3A_77 = arith.constant 1 : i32
      %sub3A_78 = arith.subi %select_n3A_75, %sub3A_77 : i32
      %select_n3A_79 = arith.constant true
      %select_n3A_80 = arith.select %select_n3A_79, %sub3A_78, %select_n3A_75 : i32
      %eq3A_81 = arith.constant -1 : i32
      %eq3A_82 = arith.cmpi eq, %select_n3A_80, %eq3A_81 : i32
      %select_n3A_83 = arith.constant 7 : i32
      %select_n3A_84 = arith.select %eq3A_82, %select_n3A_83, %select_n3A_80 : i32
      %add3A_85 = arith.addi %select_n3A_84, %mul3A_6 : i32
      %add3A_86 = arith.constant 1 : i32
      %add3A_87 = arith.addi %select_n3A_75, %add3A_86 : i32
      %select_n3A_88 = arith.constant true
      %select_n3A_89 = arith.select %select_n3A_88, %add3A_87, %select_n3A_75 : i32
      %eq3A_90 = arith.constant 8 : i32
      %eq3A_91 = arith.cmpi eq, %select_n3A_89, %eq3A_90 : i32
      %select_n3A_92 = arith.constant 0 : i32
      %select_n3A_93 = arith.select %eq3A_91, %select_n3A_92, %select_n3A_89 : i32
      %add3A_94 = arith.addi %select_n3A_93, %mul3A_6 : i32
      %add3A_95 = arith.constant 1 : i32
      %add3A_96 = arith.addi %select_n3A_93, %add3A_95 : i32
      %select_n3A_97 = arith.constant true
      %select_n3A_98 = arith.select %select_n3A_97, %add3A_96, %select_n3A_93 : i32
      %eq3A_99 = arith.constant 8 : i32
      %eq3A_100 = arith.cmpi eq, %select_n3A_98, %eq3A_99 : i32
      %select_n3A_101 = arith.constant 0 : i32
      %select_n3A_102 = arith.select %eq3A_100, %select_n3A_101, %select_n3A_98 : i32
      %add3A_103 = arith.addi %select_n3A_102, %mul3A_6 : i32
      "tpu.trace_start"() <{level = 10 : i32, message = "ep_finalize"}> : () -> ()
      %rem3A_104 = arith.constant 2 : i32
      %rem3A_105 = arith.remui %scan3A_67#3, %rem3A_104 : i32
      %mul3A_106 = arith.constant 64 : i32
      %mul3A_107 = arith.muli %mul3A_106, %add3A_76 : i32
      %dma_wait3A = arith.constant 0 : i32
      %dma_wait3A_108 = arith.constant 0 : i32
      %dma_wait3A_109 = tpu.memref_slice %run_scoped3A_8[%rem3A_105, %dma_wait3A, %dma_wait3A_108] : memref<2x64x256xf32, #tpu.memory_space<vmem>> -> memref<1x64x256xf32, #tpu.memory_space<vmem>>
      %dma_wait3A_110 = tpu.memref_squeeze %dma_wait3A_109 : memref<1x64x256xf32, #tpu.memory_space<vmem>> -> memref<64x256xf32, #tpu.memory_space<vmem>>
      %dma_wait3A_111 = arith.constant 0 : i32
      %dma_wait3A_112 = tpu.memref_slice %arg3[%mul3A_107, %dma_wait3A_111] : memref<16384x256xf32, #tpu.memory_space<hbm>> -> memref<64x256xf32, #tpu.memory_space<hbm>>
      %dma_wait3A_113 = tpu.memref_slice %run_scoped3A_9[%rem3A_105] : memref<2x!tpu.dma_semaphore, #tpu.memory_space<semaphore_mem>> -> memref<1x!tpu.dma_semaphore, #tpu.memory_space<semaphore_mem>>
      %dma_wait3A_114 = tpu.memref_squeeze %dma_wait3A_113 : memref<1x!tpu.dma_semaphore, #tpu.memory_space<semaphore_mem>> -> memref<!tpu.dma_semaphore, #tpu.memory_space<semaphore_mem>>
      %dma_wait3A_115 = arith.constant 0 : i32
      %dma_wait3A_116 = tpu.memref_slice %arg3[%mul3A_107, %dma_wait3A_115] : memref<16384x256xf32, #tpu.memory_space<hbm>> -> memref<64x256xf32, #tpu.memory_space<hbm>>
      %dma_wait3A_117 = arith.constant 0 : i32
      %dma_wait3A_118 = arith.constant 0 : i32
      %dma_wait3A_119 = tpu.memref_slice %run_scoped3A_8[%rem3A_105, %dma_wait3A_117, %dma_wait3A_118] : memref<2x64x256xf32, #tpu.memory_space<vmem>> -> memref<1x64x256xf32, #tpu.memory_space<vmem>>
      %dma_wait3A_120 = tpu.memref_squeeze %dma_wait3A_119 : memref<1x64x256xf32, #tpu.memory_space<vmem>> -> memref<64x256xf32, #tpu.memory_space<vmem>>
      tpu.wait_dma2 semaphore(%dma_wait3A_114 : memref<!tpu.dma_semaphore, #tpu.memory_space<semaphore_mem>>) src(%dma_wait3A_120 : memref<64x256xf32, #tpu.memory_space<vmem>>) dst(%dma_wait3A_116 : memref<64x256xf32, #tpu.memory_space<hbm>>)
      "tpu.trace_stop"() : () -> ()
      tpu.yield
    }) : () -> ()
    return
  }
}

</mosaic_0001>

<sc_bundles>
// kernel: kernel.3.cloned.1.call-start
scs
__scs_entry_jumppad:
0x0: {  	(pc) =	sbr.rel $0x88, $3  }
0x1: {  	(tag) =	ssettag $0x0;
	lr =	simm.s32 $0x1  }
0x2: {  	[smem:$0x3FA0] =	sst lr;
	_ =	strace $0xD0000000  }
0x3: {  	_ = 	snop  }
0x4: {  	_ = 	snop  }
0x5: {  	_ = 	snop  }
0x6: {  	_ = 	snop  }
0x7: {  	_ = 	snop  }
__scs_overlays_trampoline_lowered:
0x8: {  	[smem:$0x3FAF] =	sst s0  }
0x9: {  	[smem:$0x3FB0] =	sst s1  }
0xa: {  	[smem:$0x3FB1] =	sst s2  }
0xb: {  	[smem:$0x3FB2] =	sst s3  }
0xc: {  	[smem:$0x3FB3] =	sst s4  }
0xd: {  	[smem:$0x3FB4] =	sst s5  }
0xe: {  	[smem:$0x3FB5] =	sst s6  }
0xf: {  	[smem:$0x3FB6] =	sst s7  }
0x10: {  	[smem:$0x3FB7] =	sst s8  }
0x11: {  	[smem:$0x3FB8] =	sst s9;
	s0 =	simm.s32 @!p0 $0x0  }
0x12: {  	s1 =	sld [smem:$0x3F9E];
	s0 =	simm.s32 @p0 $0x1  }
0x13: {  	[smem:$0x3FB9] =	sst s0;
	s0 =	simm.s32 @!p1 $0x0  }
0x14: {  	s2 =	sld [smem:$0x3F9D];
	s0 =	simm.s32 @p1 $0x1  }
0x15: {  	[smem:$0x3FBA] =	sst s0;
	s0 =	simm.s32 @!p2 $0x0  }
0x16: {  	s3 =	sld [smem:$0x3FDB];
	s0 =	simm.s32 @p2 $0x1  }
0x17: {  	s4 =	simm.s32 $0x1BF5;
	[smem:$0x3FBC] =	sst s0  }
0x18: {  	s0 =	sld [smem:$0x3F9F];
	_ =	swait.ge [sflag:s4], $0x0  }
0x19: {  	s7 =	sld [smem:$0x3FA0]  }
0x1a: {  	s8 =	sadd.s32 $0xFFFFE003, lr  }
0x1b: {  	s9 =	sadd.s32 $0xFFFFFEF7, lr;
	s5 =	simm.s32 $0xFFFFFFFF;
	p2 =	slt.u32 s8, $0xFFFFF086  }
0x1c: {  	p1 =	slt.u32 s9, $0xF7A;
	s5 =	simm.s32 @!p2 $0x0  }
0x1d: {  	s5 =	simm.s32 @p1 $0x1;
	p0 =	seq.s32 s7, s2  }
0x1e: {  	s7 =	smul.u32 @!p0 $0xF7A, s2;
	p2 =	seq.s32 @!p0 s5, $0x0  }
0x1f: {  	s9 =	smul.u32 $0xF7A, s1;
	s8 =	simm.s32 @!p0 $0x1BF5;
	p2 =	por !p2, p0  }
0x20: {  	[sflag:s8] =	ssyncset.s32 @!p0 $0xFFFFF086;
	s6 =	sadd.s32 @!p0 s3, s7;
	s7 =	simm.s32 @!p0 $0x108  }
0x21: {  	s3 =	sadd.s32 s3, s9;
	s6 =	sadd.s32 @!p0 $0x88, s6;
	s7 =	simm.s32 @p2 $0x1082  }
0x22: {  	[simem:s7], [sflag:s8] =	dma.local @!p0 [hbm:s6], $0xF7A  }
0x23: {  	s9 =	sor.u32 $0xD0000000, s2;
	s6 =	simm.s32 $0x108;
	_ =	swait.ge @!p0 [sflag:s8], $0x0  }
0x24: {  	s3 =	sadd.s32 $0x88, s3;
	s6 =	simm.s32 @!p1 $0x1082;
	[sflag:s4] =	ssyncset.s32 $0xFFFFF086  }
0x25: {  	[simem:s6], [sflag:s4] =	dma.local [hbm:s3], $0xF7A  }
0x26: {  	[smem:$0x3FA0] =	sst s1;
	(tag) =	ssettag s2;
	_ =	strace s9  }
0x27: {  	s1 =	sld [smem:$0x3FB0]  }
0x28: {  	s2 =	sld [smem:$0x3FB1]  }
0x29: {  	s4 =	sld [smem:$0x3FB3]  }
0x2a: {  	p0 =	seq.s32 s5, $0x0;
	s5 =	sld [smem:$0x3FB4]  }
0x2b: {  	s6 =	sld [smem:$0x3FB5]  }
0x2c: {  	s7 =	sld [smem:$0x3FB6]  }
0x2d: {  	s3 =	simm.s32 $0x108;
	s8 =	sld [smem:$0x3FB7]  }
0x2e: {  	s3 =	simm.s32 @!p0 $0x1082;
	s9 =	sld [smem:$0x3FB8]  }
0x2f: {  	lr =	sadd.s32 s0, s3;
	s0 =	sld [smem:$0x3FAF]  }
0x30: {  	s3 =	sld [smem:$0x3FB2]  }
0x31: {  	[smem:$0x3FBB] =	sst s10  }
0x32: {  	s10 =	sld [smem:$0x3FB9];
	_ =	sdelay $0x3  }
0x33: {  	p0 =	seq.s32 s10, $0x1;
	s10 =	sld [smem:$0x3FBB];
	_ =	sdelay $0x3  }
0x34: {  	[smem:$0x3FBB] =	sst s10  }
0x35: {  	s10 =	sld [smem:$0x3FBA];
	_ =	sdelay $0x3  }
0x36: {  	p1 =	seq.s32 s10, $0x1;
	s10 =	sld [smem:$0x3FBB];
	_ =	sdelay $0x3  }
0x37: {  	[smem:$0x3FBB] =	sst s10  }
0x38: {  	s10 =	sld [smem:$0x3FBC]  }
0x39: {  	_ = 	snop;
	(pc) =	sbr.ind lr, $3  }
0x3a: {  	_ = 	snop  }
0x3b: {  	_ = 	snop  }
0x3c: {  	p2 =	seq.s32 s10, $0x1;
	s10 =	sld [smem:$0x3FBB]  }
0x3d: {  	_ =	shalt  }
0x3e: {  	_ =	shalt  }
0x3f: {  	_ =	shalt  }
0x40: {  	_ =	shalt  }
0x41: {  	_ =	shalt  }
0x42: {  	_ =	shalt  }
0x43: {  	_ =	shalt  }
0x44: {  	_ =	shalt  }
0x45: {  	_ =	shalt  }
0x46: {  	_ =	shalt  }
0x47: {  	_ =	shalt  }
0x48: {  	_ =	shalt  }
0x49: {  	_ =	shalt  }
0x4a: {  	_ =	shalt  }
0x4b: {  	_ =	shalt  }
0x4c: {  	_ =	shalt  }
0x4d: {  	_ =	shalt  }
0x4e: {  	_ =	shalt  }
0x4f: {  	_ =	shalt  }
0x50: {  	_ =	shalt  }
0x51: {  	_ =	shalt  }
0x52: {  	_ =	shalt  }
0x53: {  	_ =	shalt  }
0x54: {  	_ =	shalt  }
0x55: {  	_ =	shalt  }
0x56: {  	_ =	shalt  }
0x57: {  	_ =	shalt  }
0x58: {  	_ =	shalt  }
0x59: {  	_ =	shalt  }
0x5a: {  	_ =	shalt  }
0x5b: {  	_ =	shalt  }
0x5c: {  	_ =	shalt  }
0x5d: {  	_ =	shalt  }
0x5e: {  	_ =	shalt  }
0x5f: {  	_ =	shalt  }
0x60: {  	_ =	shalt  }
0x61: {  	_ =	shalt  }
0x62: {  	_ =	shalt  }
0x63: {  	_ =	shalt  }
0x64: {  	_ =	shalt  }
0x65: {  	_ =	shalt  }
0x66: {  	_ =	shalt  }
0x67: {  	_ =	shalt  }
0x68: {  	_ =	shalt  }
0x69: {  	_ =	shalt  }
0x6a: {  	_ =	shalt  }
0x6b: {  	_ =	shalt  }
0x6c: {  	_ =	shalt  }
0x6d: {  	_ =	shalt  }
0x6e: {  	_ =	shalt  }
0x6f: {  	_ =	shalt  }
0x70: {  	_ =	shalt  }
0x71: {  	_ =	shalt  }
0x72: {  	_ =	shalt  }
0x73: {  	_ =	shalt  }
0x74: {  	_ =	shalt  }
0x75: {  	_ =	shalt  }
0x76: {  	_ =	shalt  }
0x77: {  	_ =	shalt  }
0x78: {  	_ =	shalt  }
0x79: {  	_ =	shalt  }
0x7a: {  	_ =	shalt  }
0x7b: {  	_ =	shalt  }
0x7c: {  	_ =	shalt  }
0x7d: {  	_ =	shalt  }
0x7e: {  	_ =	shalt  }
0x7f: {  	_ =	shalt  }
0x80: {  	_ =	shalt  }
0x81: {  	_ =	shalt  }
0x82: {  	_ =	shalt  }
0x83: {  	_ =	shalt  }
0x84: {  	_ =	shalt  }
0x85: {  	_ =	shalt  }
0x86: {  	_ =	shalt  }
0x87: {  	_ =	shalt  }
.Lfunc_end0:
.L_simem_size_0:
called_computation_lowered:
.L_overlay_start_0:
0x88: {  	s2 =	sld [smem:$0x3FD9]  }
0x89: {  	s3 =	sld [smem:$0x3FFE];
	_ =	sdelay $0x1  }
0x8a: {  	s1 =	srdreg.scid  }
0x8b: {  	s0 =	sand.u32 $0x1, s1  }
0x8c: {  	s18 =	sshll.u32 s0, $0xA;
	s2 =	sadd.s32 s3, s2  }
0x8d: {  	s2 =	sadd.s32 s2, s18  }
0x8e: {  	[smem:$0x3FC7] =	sst s2  }
0x8f: {  	_ = 	snop  }
0x90: {  	s2 =	sld [smem:$0x3FC9]  }
0x91: {  	s19 =	sld [smem:$0x3FD0];
	(tm) =	ssettm $0x1  }
0x92: {  	s4 =	sld [smem:$0x3FFB];
	_ =	sdelay $0x3  }
0x93: {  	_ =	strace s4  }
0x94: {  	s4 =	sld [smem:$0x3FFC];
	_ =	sdelay $0x3  }
0x95: {  	_ =	strace s4  }
0x96: {  	s4 =	sld [smem:$0x3FFD];
	_ =	sdelay $0x3  }
0x97: {  	_ =	strace s4  }
0x98: {  	_ =	strace $0x8FFFFFFF  }
0x99: {  	s20 =	sld [smem:$0x3FDB];
	_ =	sdelay $0x1  }
0x9a: {  	s5 =	simm.s32 $_scs_section_size  }
0x9b: {  	s6 =	simm.s32 $_size__tile_overlayer_lowered;
	s7 =	simm.s32 $_tile_overlayer_lowered  }
0x9c: {  	s23 =	simm.s32 $0x1BFF;
	s22 =	sshll.u32 s7, $0x1;
	s4 =	sadd.s32 s5, s20  }
0x9d: {  	s8 =	simm.s32 $0x0;
	s21 =	sshll.u32 s6, $0x1;
	s6 =	sadd.s32 s22, s4  }
0x9e: {  	[timem:s8], [sflag:s23] =	dma.local [hbm:s6], s21  }
0x9f: {  	_ =	swait.ge [sflag:s23], s21  }
0xa0: {  	s5 =	ssub.s32 $0x0, s21;
	[sflag:s23] =	ssyncset.done $0x0  }
0xa1: {  	[sflag:s23] =	ssyncadd.s32 s5;
	_ =	sdelay $0x1  }
0xa2: {  	s24 =	simm.s32 $0x1B8B  }
0xa3: {  	_ =	swait.ge [sflag:s24], $0x1  }
0xa4: {  	[sflag:s24] =	ssyncset.done $0x0  }
0xa5: {  	s25 =	simm.s32 $0x1B8E;
	[sflag:s24] =	ssyncadd.s32 $0xFFFFFFFF  }
0xa6: {  	s26 =	simm.s32 $execute0_lowered;
	[smem:$0x3FD2] =	sst s25  }
0xa7: {  	s5 =	sshll.u32 s26, $0x1;
	_ =	strace $0x80000046;
	[dreg:$0x1] =	wrdreg $0xFFFFFFFF  }
0xa8: {  	s28 =	simm.s32 $_size_execute0_lowered;
	s4 =	sadd.s32 s4, s5;
	[dreg:$0x0] =	wrdreg $0x0  }
0xa9: {  	s5 =	sshll.u32 s28, $0x1;
	[dreg:$0x2] =	wrdreg s4  }
0xaa: {  	[dreg:$0x3] =	wrdreg s5  }
0xab: {  	[dreg:$0x4] =	wrdreg $0xC0  }
0xac: {  	_ =	task [dreg:s8], $0x5FFFF  }
0xad: {  	[dreg:$0x1] =	wrdreg $0xFFFFFFFF  }
0xae: {  	[dreg:$0x0] =	wrdreg $0x60  }
0xaf: {  	[dreg:$0x2] =	wrdreg s2  }
0xb0: {  	[dreg:$0x3] =	wrdreg s19  }
0xb1: {  	[dreg:$0x4] =	wrdreg $0x9  }
0xb2: {  	_ =	task.clear_ibuf [dreg:s8], $0x5FFFF;
	_ =	strace $0x90000046  }
0xb3: {  	s29 =	simm.s32 $0x9;
	_ =	strace $0x8000004F  }
0xb4: {  	_ =	swait.ge [sflag:s29], $0x1  }
0xb5: {  	[sflag:s29] =	ssyncadd.s32 $0xFFFFFFFF  }
0xb6: {  	_ =	strace $0x9000004F  }
0xb7: {  	_ =	sfence  }
0xb8: {  	s30 =	sld [smem:$0x0];
	_ =	sdelay $0x2  }
0xb9: {  	s31 =	sshll.u32 s1, $0xD;
	s1 =	sshrl.u32 s1, $0x2  }
0xba: {  	s3 =	sand.u32 $0x4000, s31;
	s1 =	sadd.s32 s1, s30  }
0xbb: {  	s0 =	sor.u32 s3, s0;
	s1 =	sshll.u32 s1, $0x11  }
0xbc: {  	s0 =	sor.u32 s1, s0  }
0xbd: {  	s0 =	sadd.s32 $0x8F2B, s0  }
0xbe: {  	[sflag:s0] =	ssyncadd.remote.s32 $0x1  }
0xbf: {  	_ =	sfence.sel $0xFFFF  }
0xc0: {  	[dreg:$0x0] =	wrdreg $0xFFFFFFFF;
	(pc) =	sbr.abs _section_cstart, $3  }
0xc1: {  	[dreg:$0x1] =	wrdreg $0xFFFFFFFF  }
0xc2: {  	_ =	task.clear_ibuf [dreg:s8], $0x2FFFF;
	_ =	strace $0x9FFFFFFF  }
0xc3: {  	(tm) =	ssettm $0x7FFFFFFF  }
tec
execute0_lowered:
.L_overlay_start_1:
0x0: {  	(tag) =	ssettag $0x1  }
0x1: {  	s1 =	rddreg [dreg:$0x0];
	v0 =	vlaneseq.u32  }
0x2: {  	s2 =	rddreg [dreg:$0x1];
	v0 =	vmul.u32 $0x2, v0  }
0x3: {  	s3 =	srdreg.scid;
	s0 =	rddreg [dreg:$0x2];
	s4 =	simm.s32 $0x0  }
0x4: {  	s9 =	simm.s32 $0x0;
	s5 =	sand.u32 $0x1, s3;
	s3 =	stileid.u32;
	v1 =	vor.u32 $0x20, v0;
	v2 =	vor.u32 $0x40, v0;
	v3 =	vor.u32 $0x60, v0  }
0x5: {  	[smem:$0x7FF] =	sst s4;
	s6 =	sshll.u32 s5, $0x4;
	s5 =	ssub.s32 $0x2, s5;
	v4 =	vor.u32 $0x400, v0;
	v5 =	vor.u32 $0x420, v0;
	v6 =	vor.u32 $0x440, v0  }
0x6: {  	_ =	strace $0x80000047;
	s6 =	sor.u32 s3, s6;
	s7 =	sshrl.u32 s5, $0x1;
	v7 =	vor.u32 $0x460, v0;
	v8 =	vor.u32 $0x800, v0;
	v9 =	vor.u32 $0x820, v0  }
0x7: {  	v10 =	vor.u32 $0x840, v0;
	v11 =	vor.u32 $0x860, v0;
	v12 =	vor.u32 $0xC00, v0;
	s8 =	sshll.u32 s6, $0xF;
	s7 =	ssub.s32 s5, s7;
	s5 =	sshll.u32 s6, $0x3  }
0x8: {  	v13 =	vor.u32 $0xC20, v0;
	v14 =	vor.u32 $0xC40, v0;
	v15 =	vor.u32 $0xC60, v0;
	s6 =	sadd.s32 s1, s8;
	s7 =	smax.u32 s7, $0x1;
	s8 =	simm.s32 $0x4  }
.LBB2_1:
0x9: {  	_ =	strace $0x80000048;
	s10 =	simm.s32 $0x0  }
0xa: {  	s11 =	simm.s32 $0x0;
	s12 =	simm.s32 $0x0;
	s13 =	simm.s32 $0x0  }
0xb: {  	[tilespmem:s4], [sflag:$0x1] =	stream.linear.gather [hbm4b:s6+s4], $0x8000, $0x200038;
	[tilespmem:$0x18000] =	vst v63  }
0xc: {  	s14 =	simm.s32 $0x1;
	s15 =	simm.s32 $0x0;
	_ =	strace $0x90000048  }
.LBB2_2:
0xd: {  	s16 =	smov.u32 s10;
	s10 =	sadd.s32 $0x1, s10  }
0xe: {  	p0 =	seq.s32 s10, $0x8  }
0xf: {  	s10 =	simm.s32 @p0 $0x0  }
0x10: {  	p6 =	sne.s32 s15, $0x7;
	p1 =	sne.s32 s16, s10  }
0x11: {  	p0 =	por !p6, !p1  }
0x12: {  	p0 =	por !p0, !p0  }
0x13: {  	s17 =	sadd.s32 @p0 s5, s10  }
0x14: {  	s18 =	sand.u32 @p0 $0x1, s14;
	s17 =	sshll.u32 @p0 s17, $0xC  }
0x15: {  	_ =	strace @p0 $0x80000049;
	s20 =	simm.s32 @p0 $0x0;
	s17 =	sand.u32 @p0 $0x1FFFF000, s17  }
0x16: {  	s19 =	sshll.u32 @p0 s18, $0xF;
	s18 =	sadd.s32 @p0 $0x1, s18;
	s17 =	sadd.s32 @p0 s1, s17  }
0x17: {  	[tilespmem:s19], [sflag:s18] =	stream.linear.gather @p0 [hbm4b:s17+s20], $0x8000, $0x200038;
	[tilespmem:$0x18000] =	vst v63  }
0x18: {  	s28 =	sand.u32 $0x1, s13;
	_ =	strace @p0 $0x90000049  }
0x19: {  	s29 =	sadd.s32 $0x1, s28;
	_ =	strace $0x8000004A  }
0x1a: {  	s30 =	sshll.u32 s13, $0xF;
	_ =	swait.ge [sflag:s29], $0x8000  }
0x1b: {  	s21 =	simm.s32 $0x0;
	s22 =	simm.s32 $0x0;
	[sflag:s29] =	ssyncset.done $0x0  }
0x1c: {  	s17 =	sadd.s32 s5, s16;
	s16 =	sand.u32 $0x1, s12;
	[sflag:s29] =	ssyncadd.s32 $0xFFFF8000  }
0x1d: {  	s19 =	sand.u32 $0x8000, s30;
	s31 =	sshll.u32 s16, $0xE;
	_ =	strace $0x9000004A  }
0x1e: {  	s20 =	simm.s32 $0x0;
	s18 =	sor.u32 $0x10000, s31;
	_ =	strace $0x8000004B  }
.LBB2_3:
0x1f: {  	v16 =	vmov s22  }
0x20: {  	v17 =	vshll.u32 v16, $0x9;
	v16 =	vshll.u32 v16, $0x7  }
0x21: {  	v18 =	vand.u32 $0x7000, v17;
	v16 =	vand.u32 $0x300, v16  }
0x22: {  	v18 =	vor.u32 v16, v18  }
0x23: {  	v19 =	vor.u32 v0, v18  }
0x24: {  	v20 =	vor.u32 v1, v18  }
0x25: {  	v21 =	vor.u32 v2, v18  }
0x26: {  	v22 =	vor.u32 v3, v18  }
0x27: {  	v23 =	vor.u32 v4, v18  }
0x28: {  	v24 =	vor.u32 v5, v18;
	v19 =	vld.idx.msk [tilespmem:v19+s19+$0x0], $0xffff  }
0x29: {  	v25 =	vor.u32 v6, v18;
	v20 =	vld.idx.msk [tilespmem:v20+s19+$0x0], $0xffff  }
0x2a: {  	v26 =	vor.u32 v7, v18;
	v21 =	vld.idx.msk [tilespmem:v21+s19+$0x0], $0xffff  }
0x2b: {  	v27 =	vor.u32 v8, v18;
	v22 =	vld.idx.msk [tilespmem:v22+s19+$0x0], $0xffff  }
0x2c: {  	v28 =	vor.u32 v9, v18;
	v23 =	vld.idx.msk [tilespmem:v23+s19+$0x0], $0xffff  }
0x2d: {  	v29 =	vor.u32 v10, v18;
	v24 =	vld.idx.msk [tilespmem:v24+s19+$0x0], $0xffff  }
0x2e: {  	s23 =	sadd.s32 $0x1, s22;
	v16 =	vor.u32 v16, v17;
	v18 =	vor.u32 v11, v18;
	v25 =	vld.idx.msk [tilespmem:v25+s19+$0x0], $0xffff  }
0x2f: {  	v30 =	vmov s23;
	v63 =	vor.u32 v12, v16;
	v17 =	vld.idx.msk [tilespmem:v26+s19+$0x0], $0xffff  }
0x30: {  	v32 =	vshll.u32 v30, $0x9;
	v30 =	vshll.u32 v30, $0x7;
	v31 =	vor.u32 v13, v16;
	v27 =	vld.idx.msk [tilespmem:v27+s19+$0x0], $0xffff  }
0x31: {  	v32 =	vand.u32 $0x7000, v32;
	v30 =	vand.u32 $0x380, v30;
	v33 =	vor.u32 v14, v16;
	v28 =	vld.idx.msk [tilespmem:v28+s19+$0x0], $0xffff  }
0x32: {  	v16 =	vor.u32 v15, v16;
	v30 =	vor.u32 v30, v32;
	v29 =	vld.idx.msk [tilespmem:v29+s19+$0x0], $0xffff  }
0x33: {  	v32 =	vor.u32 v0, v30;
	v18 =	vld.idx.msk [tilespmem:v18+s19+$0x0], $0xffff  }
0x34: {  	v34 =	vor.u32 v1, v30;
	v26 =	vld.idx.msk [tilespmem:v63+s19+$0x0], $0xffff  }
0x35: {  	v35 =	vor.u32 v2, v30;
	v31 =	vld.idx.msk [tilespmem:v31+s19+$0x0], $0xffff  }
0x36: {  	v36 =	vor.u32 v3, v30;
	v33 =	vld.idx.msk [tilespmem:v33+s19+$0x0], $0xffff  }
0x37: {  	v37 =	vor.u32 v4, v30;
	v16 =	vld.idx.msk [tilespmem:v16+s19+$0x0], $0xffff  }
0x38: {  	v38 =	vor.u32 v5, v30;
	v32 =	vld.idx.msk [tilespmem:v32+s19+$0x0], $0xffff  }
0x39: {  	v39 =	vor.u32 v6, v30;
	v34 =	vld.idx.msk [tilespmem:v34+s19+$0x0], $0xffff  }
0x3a: {  	v40 =	vor.u32 v7, v30;
	v35 =	vld.idx.msk [tilespmem:v35+s19+$0x0], $0xffff  }
0x3b: {  	v41 =	vor.u32 v8, v30;
	v36 =	vld.idx.msk [tilespmem:v36+s19+$0x0], $0xffff  }
0x3c: {  	v42 =	vor.u32 v9, v30;
	v37 =	vld.idx.msk [tilespmem:v37+s19+$0x0], $0xffff  }
0x3d: {  	v43 =	vor.u32 v10, v30;
	v38 =	vld.idx.msk [tilespmem:v38+s19+$0x0], $0xffff  }
0x3e: {  	v44 =	vor.u32 v11, v30;
	v39 =	vld.idx.msk [tilespmem:v39+s19+$0x0], $0xffff  }
0x3f: {  	v45 =	vor.u32 v12, v30;
	v40 =	vld.idx.msk [tilespmem:v40+s19+$0x0], $0xffff  }
0x40: {  	v46 =	vor.u32 v13, v30;
	v41 =	vld.idx.msk [tilespmem:v41+s19+$0x0], $0xffff  }
0x41: {  	v47 =	vor.u32 v14, v30;
	v42 =	vld.idx.msk [tilespmem:v42+s19+$0x0], $0xffff  }
0x42: {  	v30 =	vor.u32 v15, v30;
	v43 =	vld.idx.msk [tilespmem:v43+s19+$0x0], $0xffff  }
0x43: {  	v44 =	vld.idx.msk [tilespmem:v44+s19+$0x0], $0xffff  }
0x44: {  	s31 =	sand.u32 $0x3800, s20;
	v45 =	vld.idx.msk [tilespmem:v45+s19+$0x0], $0xffff  }
0x45: {  	s24 =	sand.u32 $0x300, s21;
	s23 =	sadd.s32 s31, s18;
	v46 =	vld.idx.msk [tilespmem:v46+s19+$0x0], $0xffff  }
0x46: {  	s24 =	sadd.s32 s24, s23;
	v47 =	vld.idx.msk [tilespmem:v47+s19+$0x0], $0xffff  }
0x47: {  	v30 =	vld.idx.msk [tilespmem:v30+s19+$0x0], $0xffff;
	[tilespmem:s24+$0x0] =	vst v19  }
0x48: {  	[tilespmem:s24+$0x10] =	vst v20  }
0x49: {  	[tilespmem:s24+$0x20] =	vst v21  }
0x4a: {  	[tilespmem:s24+$0x30] =	vst v22  }
0x4b: {  	[tilespmem:s24+$0x40] =	vst v23  }
0x4c: {  	[tilespmem:s24+$0x50] =	vst v24  }
0x4d: {  	[tilespmem:s24+$0x60] =	vst v25  }
0x4e: {  	[tilespmem:s24+$0x70] =	vst v17  }
0x4f: {  	[tilespmem:s24+$0x400] =	vst v27  }
0x50: {  	[tilespmem:s24+$0x410] =	vst v28  }
0x51: {  	[tilespmem:s24+$0x420] =	vst v29  }
0x52: {  	[tilespmem:s24+$0x430] =	vst v18  }
0x53: {  	[tilespmem:s24+$0x440] =	vst v26  }
0x54: {  	s25 =	sadd.s32 $0x80, s21;
	[tilespmem:s24+$0x450] =	vst v31  }
0x55: {  	s25 =	sand.u32 $0x380, s25;
	[tilespmem:s24+$0x460] =	vst v33  }
0x56: {  	s23 =	sadd.s32 s25, s23;
	[tilespmem:s24+$0x470] =	vst v16  }
0x57: {  	[tilespmem:s23+$0x0] =	vst v32  }
0x58: {  	[tilespmem:s23+$0x10] =	vst v34  }
0x59: {  	[tilespmem:s23+$0x20] =	vst v35  }
0x5a: {  	[tilespmem:s23+$0x30] =	vst v36  }
0x5b: {  	[tilespmem:s23+$0x40] =	vst v37  }
0x5c: {  	[tilespmem:s23+$0x50] =	vst v38  }
0x5d: {  	[tilespmem:s23+$0x60] =	vst v39  }
0x5e: {  	[tilespmem:s23+$0x70] =	vst v40  }
0x5f: {  	[tilespmem:s23+$0x400] =	vst v41  }
0x60: {  	[tilespmem:s23+$0x410] =	vst v42  }
0x61: {  	p2 =	sne.s32 s22, $0x3E;
	[tilespmem:s23+$0x420] =	vst v43  }
.Ltmp0:
0x62: {  	[tilespmem:s23+$0x430] =	vst v44;
	(pc) =	sbr.rel @p2 .LBB2_3-.Ltmp0, $4  }
0x63: {  	[tilespmem:s23+$0x440] =	vst v45  }
0x64: {  	[tilespmem:s23+$0x450] =	vst v46  }
0x65: {  	[tilespmem:s23+$0x460] =	vst v47  }
0x66: {  	s21 =	sadd.s32 $0x100, s21;
	s20 =	sadd.s32 $0x200, s20;
	s22 =	sadd.s32 $0x2, s22;
	[tilespmem:s23+$0x470] =	vst v30  }
0x67: {  	p2 =	seq.s32 s15, $0x7  }
0x68: {  	p1 =	por p2, p1  }
0x69: {  	_ =	strace $0x9000004B;
	s17 =	sshll.u32 @p1 s17, $0xB  }
0x6a: {  	_ =	strace @p1 $0x8000004C;
	s17 =	sand.u32 @p1 $0x1FFFF800, s17  }
0x6b: {  	s16 =	sadd.s32 @p1 $0x3, s16;
	s19 =	simm.s32 @p1 $0x0;
	s17 =	sadd.s32 @p1 s2, s17  }
0x6c: {  	[hbm4b:s17+s19] =	stream.linear.scatter @p1 [tilespmem:s18], [sflag:s16], $0x4000, $0x200038;
	[tilespmem:$0x18000] =	vst v63  }
0x6d: {  	s16 =	simm.s32 $0x1  }
0x6e: {  	s18 =	simm.s32 $0x1;
	s16 =	simm.s32 @!p0 $0x0;
	p0 =	seq.s32 s15, $0x0  }
0x6f: {  	_ =	strace @p1 $0x9000004C;
	s14 =	sadd.s32 s16, s14;
	s16 =	simm.s32 $0x1  }
0x70: {  	s16 =	simm.s32 @!p1 $0x0;
	p1 =	sne.s32 s15, $0x0;
	s15 =	sadd.s32 $0x1, s15  }
0x71: {  	s17 =	sand.u32 @!p0 $0x1, s11;
	s18 =	simm.s32 @!p1 $0x0;
	p1 =	sne.s32 s15, $0x8  }
.Ltmp1:
0x72: {  	_ =	strace @!p0 $0x8000004D;
	s17 =	sadd.s32 @!p0 $0x3, s17;
	(pc) =	sbr.rel @p1 .LBB2_2-.Ltmp1, $4  }
0x73: {  	_ =	swait.ge @!p0 [sflag:s17], $0x4000  }
0x74: {  	[sflag:s17] =	ssyncset.done @!p0 $0x0  }
0x75: {  	s12 =	sadd.s32 s16, s12;
	[sflag:s17] =	ssyncadd.s32 @!p0 $0xFFFFC000  }
0x76: {  	s13 =	sadd.s32 s16, s13;
	s11 =	sadd.s32 s18, s11;
	_ =	strace @!p0 $0x9000004D  }
0x77: {  	s9 =	sadd.s32 $0x1, s9  }
0x78: {  	p0 =	sne.s32 s9, s7  }
.Ltmp2:
0x79: {  	_ =	strace $0x8000004E;
	(pc) =	sbr.rel @p0 .LBB2_1-.Ltmp2, $4  }
0x7a: {  	_ =	swait.ge [sflag:s8], $0x4000  }
0x7b: {  	[sflag:s8] =	ssyncset.done $0x0  }
0x7c: {  	[sflag:s8] =	ssyncadd.s32 $0xFFFFC000  }
0x7d: {  	_ =	strace $0x9000004E  }
0x7e: {  	_ =	sfence.sel $0x180000  }
0x7f: {  	[bflag:$0x0] =	sbarrier.arrive $0xFFFF  }
0x80: {  	p0 =	sne.s32 s3, $0x0;
	_ =	strace $0x90000047  }
0x81: {  	s0 =	sadd.s32 @!p0 $0x100000, s0;
	[bflag:$0x2] =	sbarrier.arrive $0xFFFF  }
0x82: {  	[sflag:s0] =	ssyncadd.tile.s32 @!p0 $0x1;
	_ =	shalt  }
.Lfunc_end2:
_tile_overlayer_lowered:
.L_overlay_start_2:
0x83: {  	(tag) =	ssettag $0x2  }
0x84: {  	s0 =	rddreg [dreg:$0x0];
	s2 =	stileid.u32  }
0x85: {  	s1 =	rddreg [dreg:$0x1];
	p0 =	sne.s32 s2, $0x0  }
0x86: {  	s3 =	rddreg [dreg:$0x2];
	[bflag:$0x3] =	sbarrier.arrive $0xFFFF;
	s2 =	simm.s32 @!p0 $0x1C01  }
0x87: {  	[timem:s3], [sflag:s2] =	dma.local @!p0 [hbm:s0], s1  }
0x88: {  	s0 =	simm.s32 @!p0 $0x1  }
0x89: {  	_ =	swait.ge @!p0 [sflag:s0], s1  }
0x8a: {  	s1 =	ssub.s32 @!p0 $0x0, s1;
	[sflag:s0] =	ssyncset.done @!p0 $0x0  }
0x8b: {  	[sflag:s0] =	ssyncadd.s32 @!p0 s1  }
0x8c: {  	[bflag:$0x3] =	sbarrier.arrive $0xFFFF  }
0x8d: {  	_ =	shalt  }

</sc_bundles>
